<compile_context>
chip_gen: v7x
topology: tpu7x:2x2x1
jax: 0.10.2.dev20260603
libtpu: 0.0.44.dev20260713+nightly
codegen_flags: <defaults>
</compile_context>

<pallas_src>
import jax
import jax.numpy as jnp
from jax import lax
from jax.experimental import pallas as pl
from jax.experimental.pallas import tpu as pltpu
from jax.experimental.pallas import tpu_sc as plsc

_B, _S, _H = 1, 2048, 768
_F = 3072
_E = 8
_EPS = 1e-12
_T = 256
_G = _S * 2 // _T + _E
_P = _G * _T
_NC, _NS = 2, 16
_NW = _NC * _NS
_TPW = _S // _NW
_SQRT1_2 = 0.7071067811865476
_HW = _H // 2
_HIMASK = -65536


def _pack_rows(x):
    xb = x.astype(jnp.bfloat16).astype(jnp.float32)
    bits = lax.bitcast_convert_type(xb, jnp.int32)
    a = bits[:, :_HW]
    b = bits[:, _HW:]
    return lax.shift_right_logical(a, 16) | (b & _HIMASK)


def _unpack_rows(p):
    a = lax.bitcast_convert_type(lax.shift_left(p, 16), jnp.float32)
    b = lax.bitcast_convert_type(p & _HIMASK, jnp.float32)
    return jnp.concatenate([a, b], axis=1)



def _router_body(x_ref, rw_ref, rb_ref,
                 pos0_ref, pos1_ref, w0_ref, w1_ref, te_ref, xp_ref):
    x = x_ref[...]
    xp_ref[...] = _pack_rows(x)
    logits = lax.dot_general(
        x.astype(jnp.bfloat16), rw_ref[...].astype(jnp.bfloat16),
        (((1,), (1,)), ((), ())),
        preferred_element_type=jnp.float32) + rb_ref[...]
    iota_e = lax.broadcasted_iota(jnp.int32, logits.shape, 1)
    m0 = jnp.max(logits, axis=-1, keepdims=True)
    e0 = jnp.min(jnp.where(logits >= m0, iota_e, _E), axis=-1, keepdims=True)
    masked = jnp.where(iota_e == e0, -jnp.inf, logits)
    m1 = jnp.max(masked, axis=-1, keepdims=True)
    e1 = jnp.min(jnp.where(masked >= m1, iota_e, _E), axis=-1, keepdims=True)
    w0 = 1.0 / (1.0 + jnp.exp(m1 - m0))
    w0_ref[...] = w0
    w1_ref[...] = 1.0 - w0
    sel = ((iota_e == e0) | (iota_e == e1)).astype(jnp.bfloat16)
    tri = (lax.broadcasted_iota(jnp.int32, (_S, _S), 1)
           < lax.broadcasted_iota(jnp.int32, (_S, _S), 0)).astype(jnp.bfloat16)
    rank = lax.dot_general(tri, sel, (((1,), (0,)), ((), ())),
                           preferred_element_type=jnp.float32)
    count = jnp.sum(sel.astype(jnp.float32), axis=0, keepdims=True)
    pc = ((count.astype(jnp.int32) + _T - 1) // _T) * _T
    trie = (lax.broadcasted_iota(jnp.int32, (_E, _E), 0)
            < lax.broadcasted_iota(jnp.int32, (_E, _E), 1)).astype(jnp.float32)
    pstart = lax.dot_general(pc.astype(jnp.float32), trie,
                             (((1,), (0,)), ((), ())),
                             preferred_element_type=jnp.float32,
                             precision=lax.Precision.HIGHEST)
    rank0 = jnp.sum(jnp.where(iota_e == e0, rank, 0.0), axis=1, keepdims=True)
    rank1 = jnp.sum(jnp.where(iota_e == e1, rank, 0.0), axis=1, keepdims=True)
    ps0 = jnp.sum(jnp.where(iota_e == e0, pstart, 0.0), axis=1, keepdims=True)
    ps1 = jnp.sum(jnp.where(iota_e == e1, pstart, 0.0), axis=1, keepdims=True)
    pos0_ref[...] = (ps0 + rank0).astype(jnp.int32)
    pos1_ref[...] = (ps1 + rank1).astype(jnp.int32)
    psi = pstart.astype(jnp.int32)
    n_used = jnp.sum(pc, axis=1, keepdims=True) // _T
    iota_g = lax.broadcasted_iota(jnp.int32, (_G, _E), 0)
    gT = jnp.minimum(iota_g, n_used - 1) * _T
    te = jnp.sum((jnp.broadcast_to(psi, (_G, _E)) <= gT).astype(jnp.int32),
                 axis=1, keepdims=True) - 1
    te = jnp.clip(te, 0, _E - 1)
    iota_e_g = lax.broadcasted_iota(jnp.int32, (_G, _E), 1)
    used_b = jnp.broadcast_to((count > 0).astype(jnp.int32), (_G, _E))
    ordv = jnp.sum(jnp.where(iota_e_g < te, used_b, 0),
                   axis=1, keepdims=True)
    parity = ordv % 2
    te_prev = jnp.concatenate(
        [jnp.full((1, 1), -1, jnp.int32), te[:-1]], axis=0)
    is_start = (te != te_prev).astype(jnp.int32)
    nxt = jnp.min(jnp.where((used_b == 1) & (iota_e_g > te), iota_e_g, _E),
                  axis=1, keepdims=True)
    te_ref[...] = jnp.concatenate(
        [te, parity, is_start, nxt,
         jnp.broadcast_to(n_used, (8, 1))], axis=0)


def _router(flat, router_w, router_b):
    return pl.pallas_call(
        _router_body,
        grid=(1,),
        in_specs=[
            pl.BlockSpec((_S, _H), lambda i: (0, 0)),
            pl.BlockSpec((_E, _H), lambda i: (0, 0)),
            pl.BlockSpec((1, _E), lambda i: (0, 0)),
        ],
        out_specs=[
            pl.BlockSpec((_S, 1), lambda i: (0, 0)),
            pl.BlockSpec((_S, 1), lambda i: (0, 0)),
            pl.BlockSpec((_S, 1), lambda i: (0, 0)),
            pl.BlockSpec((_S, 1), lambda i: (0, 0)),
            pl.BlockSpec((4 * _G + 8, 1), lambda i: (0, 0)),
            pl.BlockSpec((_S, _HW), lambda i: (0, 0)),
        ],
        out_shape=[
            jax.ShapeDtypeStruct((_S, 1), jnp.int32),
            jax.ShapeDtypeStruct((_S, 1), jnp.int32),
            jax.ShapeDtypeStruct((_S, 1), jnp.float32),
            jax.ShapeDtypeStruct((_S, 1), jnp.float32),
            jax.ShapeDtypeStruct((4 * _G + 8, 1), jnp.int32),
            jax.ShapeDtypeStruct((_S, _HW), jnp.int32),
        ],
    )(flat, router_w, router_b.reshape(1, _E))



def _sc_scatter_body(flat_hbm, pos0_hbm, pos1_hbm, xs_hbm,
                     rows_v, i0_v, i1_v, sem, sem2):
    wid = lax.axis_index("s") * _NC + lax.axis_index("c")
    base = wid * _TPW
    cr = pltpu.async_copy(flat_hbm.at[pl.ds(base, _TPW)], rows_v, sem)
    c0 = pltpu.async_copy(pos0_hbm.at[pl.ds(base, _TPW)], i0_v, sem2)
    c1 = pltpu.async_copy(pos1_hbm.at[pl.ds(base, _TPW)], i1_v, sem2)
    cr.wait()
    c0.wait()
    c1.wait()
    s0 = pltpu.async_copy(rows_v, xs_hbm.at[i0_v], sem)
    s1 = pltpu.async_copy(rows_v, xs_hbm.at[i1_v], sem2)
    s0.wait()
    s1.wait()


def _sc_scatter(flat, pos0, pos1):
    mesh = plsc.VectorSubcoreMesh(core_axis_name="c", subcore_axis_name="s")
    return pl.kernel(
        _sc_scatter_body,
        out_type=jax.ShapeDtypeStruct((_P, _HW), jnp.int32),
        mesh=mesh,
        scratch_types=[
            pltpu.VMEM((_TPW, _HW), jnp.int32),
            pltpu.VMEM((_TPW,), jnp.int32),
            pltpu.VMEM((_TPW,), jnp.int32),
            pltpu.SemaphoreType.DMA,
            pltpu.SemaphoreType.DMA,
        ],
    )(flat, pos0, pos1)



def _ffn_body(m_ref, xs_ref, b1_ref, b2_ref, w1_hbm, w2_hbm, y_ref,
              w1buf, w2buf, semw):
    g = pl.program_id(0)
    e = m_ref[g]
    par = m_ref[_G + g]
    st = m_ref[2 * _G + g]
    nxe = m_ref[3 * _G + g]
    nu = m_ref[4 * _G]

    @pl.when(g == 0)
    def _():
        pltpu.make_async_copy(w1_hbm.at[e], w1buf.at[par], semw.at[par]).start()
        pltpu.make_async_copy(w2_hbm.at[e], w2buf.at[par], semw.at[par]).start()

    @pl.when(st == 1)
    def _():
        pltpu.make_async_copy(w1_hbm.at[e], w1buf.at[par], semw.at[par]).wait()
        pltpu.make_async_copy(w2_hbm.at[e], w2buf.at[par], semw.at[par]).wait()

    @pl.when((st == 1) & (nxe < _E))
    def _():
        pltpu.make_async_copy(
            w1_hbm.at[nxe], w1buf.at[1 - par], semw.at[1 - par]).start()
        pltpu.make_async_copy(
            w2_hbm.at[nxe], w2buf.at[1 - par], semw.at[1 - par]).start()

    @pl.when(g < nu)
    def _():
        xb = _unpack_rows(xs_ref[...]).astype(jnp.bfloat16)
        h1 = lax.dot_general(xb, w1buf[par].astype(jnp.bfloat16),
                             (((1,), (1,)), ((), ())),
                             preferred_element_type=jnp.float32) + b1_ref[0]
        h1 = 0.5 * h1 * (1.0 + lax.erf(h1 * _SQRT1_2))
        y_ref[...] = _pack_rows(lax.dot_general(
            h1.astype(jnp.bfloat16), w2buf[par].astype(jnp.bfloat16),
            (((1,), (1,)), ((), ())),
            preferred_element_type=jnp.float32) + b2_ref[0])


def _ffn(te_flat, xs, b1r, b2r, W1, W2):
    grid_spec = pltpu.PrefetchScalarGridSpec(
        num_scalar_prefetch=1,
        grid=(_G,),
        in_specs=[
            pl.BlockSpec((_T, _HW), lambda g, m: (g, 0)),
            pl.BlockSpec((1, 1, _F), lambda g, m: (m[g], 0, 0)),
            pl.BlockSpec((1, 1, _H), lambda g, m: (m[g], 0, 0)),
            pl.BlockSpec(memory_space=pltpu.MemorySpace.HBM),
            pl.BlockSpec(memory_space=pltpu.MemorySpace.HBM),
        ],
        out_specs=pl.BlockSpec((_T, _HW), lambda g, m: (g, 0)),
        scratch_shapes=[
            pltpu.VMEM((2, _F, _H), jnp.float32),
            pltpu.VMEM((2, _H, _F), jnp.float32),
            pltpu.SemaphoreType.DMA((2,)),
        ],
    )
    return pl.pallas_call(
        _ffn_body,
        grid_spec=grid_spec,
        out_shape=jax.ShapeDtypeStruct((_P, _HW), jnp.int32),
        compiler_params=pltpu.CompilerParams(
            vmem_limit_bytes=120 * 1024 * 1024),
    )(te_flat, xs, b1r, b2r, W1, W2)



def _sc_gather_body(y_hbm, pos0_hbm, pos1_hbm, y0_hbm, y1_hbm,
                    rows0_v, rows1_v, i0_v, i1_v, sem, sem2):
    wid = lax.axis_index("s") * _NC + lax.axis_index("c")
    base = wid * _TPW
    c0 = pltpu.async_copy(pos0_hbm.at[pl.ds(base, _TPW)], i0_v, sem)
    c1 = pltpu.async_copy(pos1_hbm.at[pl.ds(base, _TPW)], i1_v, sem2)
    c0.wait()
    c1.wait()
    g0 = pltpu.async_copy(y_hbm.at[i0_v], rows0_v, sem)
    g1 = pltpu.async_copy(y_hbm.at[i1_v], rows1_v, sem2)
    g0.wait()
    g1.wait()
    s0 = pltpu.async_copy(rows0_v, y0_hbm.at[pl.ds(base, _TPW)], sem)
    s1 = pltpu.async_copy(rows1_v, y1_hbm.at[pl.ds(base, _TPW)], sem2)
    s0.wait()
    s1.wait()


def _sc_gather(y, pos0, pos1):
    mesh = plsc.VectorSubcoreMesh(core_axis_name="c", subcore_axis_name="s")
    return pl.kernel(
        _sc_gather_body,
        out_type=[
            jax.ShapeDtypeStruct((_S, _HW), jnp.int32),
            jax.ShapeDtypeStruct((_S, _HW), jnp.int32),
        ],
        mesh=mesh,
        scratch_types=[
            pltpu.VMEM((_TPW, _HW), jnp.int32),
            pltpu.VMEM((_TPW, _HW), jnp.int32),
            pltpu.VMEM((_TPW,), jnp.int32),
            pltpu.VMEM((_TPW,), jnp.int32),
            pltpu.SemaphoreType.DMA,
            pltpu.SemaphoreType.DMA,
        ],
    )(y, pos0, pos1)



def _combine_body(x_ref, y0_ref, y1_ref, w0_ref, w1_ref, g_ref, b_ref,
                  out_ref):
    y0 = _unpack_rows(y0_ref[...])
    y1 = _unpack_rows(y1_ref[...])
    u = x_ref[...] + w0_ref[...] * y0 + w1_ref[...] * y1
    mu = jnp.mean(u, axis=-1, keepdims=True)
    var = jnp.mean((u - mu) ** 2, axis=-1, keepdims=True)
    out_ref[...] = (u - mu) * lax.rsqrt(var + _EPS) * g_ref[...] + b_ref[...]


def _combine(flat, y0, y1, w0, w1, ln_g, ln_b):
    tn = 256
    return pl.pallas_call(
        _combine_body,
        grid=(_S // tn,),
        in_specs=[
            pl.BlockSpec((tn, _H), lambda t: (t, 0)),
            pl.BlockSpec((tn, _HW), lambda t: (t, 0)),
            pl.BlockSpec((tn, _HW), lambda t: (t, 0)),
            pl.BlockSpec((tn, 1), lambda t: (t, 0)),
            pl.BlockSpec((tn, 1), lambda t: (t, 0)),
            pl.BlockSpec((1, _H), lambda t: (0, 0)),
            pl.BlockSpec((1, _H), lambda t: (0, 0)),
        ],
        out_specs=pl.BlockSpec((tn, _H), lambda t: (t, 0)),
        out_shape=jax.ShapeDtypeStruct((_S, _H), jnp.float32),
    )(flat, y0, y1, w0, w1, ln_g.reshape(1, _H), ln_b.reshape(1, _H))


def kernel(hidden_states, router_w, router_b, W1, b1, W2, b2, ln_g, ln_b):
    flat = hidden_states.reshape(_S, _H)
    pos0_2d, pos1_2d, w0, w1, te, flat_pk = _router(flat, router_w, router_b)
    pos0 = pos0_2d.reshape(_S)
    pos1 = pos1_2d.reshape(_S)
    xs = _sc_scatter(flat_pk, pos0, pos1)
    y = _ffn(te.reshape(4 * _G + 8), xs, b1.reshape(_E, 1, _F),
             b2.reshape(_E, 1, _H), W1, W2)
    y0, y1 = _sc_gather(y, pos0, pos1)
    out = _combine(flat, y0, y1, w0, w1, ln_g, ln_b)
    return out.reshape(_B, _S, _H)

# --- scband reference (transcript-rebuilt; emitter-appended) ---
"""Pipeline reference for scband-mo-effn-18322330485023 (READ-ONLY COPY).

The authoritative reference and input builder live on the scoring server;
editing this copy changes nothing except your own understanding.
"""

import jax, jax.numpy as jnp
import numpy as np

B, S, H = 1, 2048, 768
F = 3072
E = 8
K = 2
EPS = 1e-12


def setup_inputs(seed: int = 0) -> dict:
    key = jax.random.key(seed)
    ks = jax.random.split(key, 8)
    hidden_states = jax.random.normal(ks[0], (B, S, H), dtype=jnp.float32)
    # Router params: torch init zeroes them, but we use small random weights so the
    # routing decision is non-trivial (parameters are inputs to the reference).
    router_w = jax.random.normal(ks[1], (E, H), dtype=jnp.float32) * 0.02
    router_b = jnp.zeros((E,), dtype=jnp.float32)
    # Per-expert FFN weights (torch nn.Linear layout: W1[e] is [F, H], W2[e] is [H, F])
    W1 = jax.random.normal(ks[2], (E, F, H), dtype=jnp.float32) * 0.02
    b1 = jax.random.normal(ks[3], (E, F), dtype=jnp.float32) * 0.02
    W2 = jax.random.normal(ks[4], (E, H, F), dtype=jnp.float32) * 0.02
    b2 = jax.random.normal(ks[5], (E, H), dtype=jnp.float32) * 0.02
    ln_g = jnp.ones((H,), dtype=jnp.float32)
    ln_b = jnp.zeros((H,), dtype=jnp.float32)
    return {
        "hidden_states": hidden_states,
        "router_w": router_w,
        "router_b": router_b,
        "W1": W1,
        "b1": b1,
        "W2": W2,
        "b2": b2,
        "ln_g": ln_g,
        "ln_b": ln_b,
    }


def reference(hidden_states, router_w, router_b, W1, b1, W2, b2, ln_g, ln_b):
    bsz, seqlen, h = hidden_states.shape
    flat = hidden_states.reshape(-1, h)  # [N, H]
    # Router (eval mode: no jitter, no pad-token masking, no capacity factor)
    logits = flat @ router_w.T + router_b  # [N, E]
    topk_vals, topk_idx = jax.lax.top_k(logits, K)  # [N, K]
    topk_w = jax.nn.softmax(topk_vals, axis=-1)  # [N, K]
    # Combine weights per (token, expert): zero for experts not in the token's top-k.
    onehot = jax.nn.one_hot(topk_idx, E, dtype=flat.dtype)  # [N, K, E]
    comb = jnp.einsum('nk,nke->ne', topk_w, onehot)  # [N, E]
    # Expert FFNs (dense over experts; masked by comb -> math-identical to
    # the torch gather/index_add dispatch since unselected tokens get weight 0)
    h1 = jnp.einsum('nh,efh->nef', flat, W1) + b1[None, :, :]  # [N, E, F]
    h1 = jax.nn.gelu(h1, approximate=False)  # torch F.gelu default (erf)
    y = jnp.einsum('nef,ehf->neh', h1, W2) + b2[None, :, :]  # [N, E, H]
    out = jnp.einsum('ne,neh->nh', comb, y)  # weighted scatter-combine
    out = out.reshape(bsz, seqlen, h) + hidden_states  # residual
    # LayerNorm
    mu = jnp.mean(out, axis=-1, keepdims=True)
    var = jnp.var(out, axis=-1, keepdims=True)
    out = (out - mu) / jnp.sqrt(var + EPS) * ln_g + ln_b
    return out

if __name__ == "__main__":
    import jax
    _d = setup_inputs()
    print(jax.jit(kernel)(*tuple(_d.values())))

</pallas_src>

<mosaic_0001>
#map = affine_map<(d0, d1) -> (0, 0)>
#map1 = affine_map<(d0, d1) -> (0)>
module attributes {stable_mosaic.version = 14 : i64} {
  func.func @_sc_gather_body(%arg0: i32, %arg1: i32, %arg2: memref<6144x384xi32, #tpu.memory_space<hbm>>, %arg3: memref<2048xi32, #tpu.memory_space<hbm>>, %arg4: memref<2048xi32, #tpu.memory_space<hbm>>, %arg5: memref<2048x384xi32, #tpu.memory_space<hbm>>, %arg6: memref<2048x384xi32, #tpu.memory_space<hbm>>, %arg7: memref<64x384xi32, #tpu.memory_space<vmem>>, %arg8: memref<64x384xi32, #tpu.memory_space<vmem>>, %arg9: memref<64xi32, #tpu.memory_space<vmem>>, %arg10: memref<64xi32, #tpu.memory_space<vmem>>, %arg11: memref<!tpu.dma_semaphore, #tpu.memory_space<semaphore_mem>>, %arg12: memref<!tpu.dma_semaphore, #tpu.memory_space<semaphore_mem>>) attributes {dimension_semantics = [#tpu.dimension_semantics<core_parallel>, #tpu.dimension_semantics<subcore_parallel>], iteration_bounds = array<i64: 2, 16>, scalar_prefetch = 0 : i64, scratch_operands = 6 : i64, tpu.core_type = #tpu.core_type<sc_vector_subcore>, window_params = [{transform_indices = #map}, {transform_indices = #map1}, {transform_indices = #map1}, {transform_indices = #map}, {transform_indices = #map}]} {
    %mul3A = arith.constant 2 : i32
    %mul3A_0 = arith.muli %arg1, %mul3A : i32
    %add3A = arith.addi %mul3A_0, %arg0 : i32
    %mul3A_1 = arith.constant 64 : i32
    %mul3A_2 = arith.muli %add3A, %mul3A_1 : i32
    %dma_start3A = tpu.memref_slice %arg3[%mul3A_2] : memref<2048xi32, #tpu.memory_space<hbm>> -> memref<64xi32, #tpu.memory_space<hbm>>
    %dma_start3A_3 = tpu.memref_slice %arg3[%mul3A_2] : memref<2048xi32, #tpu.memory_space<hbm>> -> memref<64xi32, #tpu.memory_space<hbm>>
    tpu.enqueue_dma source(%dma_start3A_3 : memref<64xi32, #tpu.memory_space<hbm>>) target(%arg9 : memref<64xi32, #tpu.memory_space<vmem>>) target_semaphore(%arg11 : memref<!tpu.dma_semaphore, #tpu.memory_space<semaphore_mem>>)
    %dma_start3A_4 = tpu.memref_slice %arg4[%mul3A_2] : memref<2048xi32, #tpu.memory_space<hbm>> -> memref<64xi32, #tpu.memory_space<hbm>>
    %dma_start3A_5 = tpu.memref_slice %arg4[%mul3A_2] : memref<2048xi32, #tpu.memory_space<hbm>> -> memref<64xi32, #tpu.memory_space<hbm>>
    tpu.enqueue_dma source(%dma_start3A_5 : memref<64xi32, #tpu.memory_space<hbm>>) target(%arg10 : memref<64xi32, #tpu.memory_space<vmem>>) target_semaphore(%arg12 : memref<!tpu.dma_semaphore, #tpu.memory_space<semaphore_mem>>)
    %dma_wait3A = tpu.memref_slice %arg3[%mul3A_2] : memref<2048xi32, #tpu.memory_space<hbm>> -> memref<64xi32, #tpu.memory_space<hbm>>
    %dma_wait3A_6 = tpu.memref_slice %arg3[%mul3A_2] : memref<2048xi32, #tpu.memory_space<hbm>> -> memref<64xi32, #tpu.memory_space<hbm>>
    tpu.wait_dma2 semaphore(%arg11 : memref<!tpu.dma_semaphore, #tpu.memory_space<semaphore_mem>>) src(%dma_wait3A_6 : memref<64xi32, #tpu.memory_space<hbm>>) dst(%arg9 : memref<64xi32, #tpu.memory_space<vmem>>)
    %dma_wait3A_7 = tpu.memref_slice %arg4[%mul3A_2] : memref<2048xi32, #tpu.memory_space<hbm>> -> memref<64xi32, #tpu.memory_space<hbm>>
    %dma_wait3A_8 = tpu.memref_slice %arg4[%mul3A_2] : memref<2048xi32, #tpu.memory_space<hbm>> -> memref<64xi32, #tpu.memory_space<hbm>>
    tpu.wait_dma2 semaphore(%arg12 : memref<!tpu.dma_semaphore, #tpu.memory_space<semaphore_mem>>) src(%dma_wait3A_8 : memref<64xi32, #tpu.memory_space<hbm>>) dst(%arg10 : memref<64xi32, #tpu.memory_space<vmem>>)
    %dma_start3A_9 = arith.constant 0 : i32
    %dma_start3A_10 = arith.constant 0 : i32
    %dma_start3A_11 = tpu.memref_slice %arg2[%dma_start3A_9, %dma_start3A_10] : memref<6144x384xi32, #tpu.memory_space<hbm>> -> memref<6144x384xi32, #tpu.memory_space<hbm>>
    tpu.enqueue_indirect_dma source(%dma_start3A_11 : memref<6144x384xi32, #tpu.memory_space<hbm>>) target(%arg7 : memref<64x384xi32, #tpu.memory_space<vmem>>) offsets(%arg9 : memref<64xi32, #tpu.memory_space<vmem>>) semaphore(%arg11 : memref<!tpu.dma_semaphore, #tpu.memory_space<semaphore_mem>>)
    %dma_start3A_12 = arith.constant 0 : i32
    %dma_start3A_13 = arith.constant 0 : i32
    %dma_start3A_14 = tpu.memref_slice %arg2[%dma_start3A_12, %dma_start3A_13] : memref<6144x384xi32, #tpu.memory_space<hbm>> -> memref<6144x384xi32, #tpu.memory_space<hbm>>
    tpu.enqueue_indirect_dma source(%dma_start3A_14 : memref<6144x384xi32, #tpu.memory_space<hbm>>) target(%arg8 : memref<64x384xi32, #tpu.memory_space<vmem>>) offsets(%arg10 : memref<64xi32, #tpu.memory_space<vmem>>) semaphore(%arg12 : memref<!tpu.dma_semaphore, #tpu.memory_space<semaphore_mem>>)
    %dma_wait3A_15 = arith.constant 0 : i32
    %dma_wait3A_16 = arith.constant 0 : i32
    %dma_wait3A_17 = tpu.memref_slice %arg2[%dma_wait3A_15, %dma_wait3A_16] : memref<6144x384xi32, #tpu.memory_space<hbm>> -> memref<6144x384xi32, #tpu.memory_space<hbm>>
    tpu.wait_indirect_dma semaphore(%arg11 : memref<!tpu.dma_semaphore, #tpu.memory_space<semaphore_mem>>) src(%dma_wait3A_17 : memref<6144x384xi32, #tpu.memory_space<hbm>>) dst(%arg7 : memref<64x384xi32, #tpu.memory_space<vmem>>)
    %dma_wait3A_18 = arith.constant 0 : i32
    %dma_wait3A_19 = arith.constant 0 : i32
    %dma_wait3A_20 = tpu.memref_slice %arg2[%dma_wait3A_18, %dma_wait3A_19] : memref<6144x384xi32, #tpu.memory_space<hbm>> -> memref<6144x384xi32, #tpu.memory_space<hbm>>
    tpu.wait_indirect_dma semaphore(%arg12 : memref<!tpu.dma_semaphore, #tpu.memory_space<semaphore_mem>>) src(%dma_wait3A_20 : memref<6144x384xi32, #tpu.memory_space<hbm>>) dst(%arg8 : memref<64x384xi32, #tpu.memory_space<vmem>>)
    %dma_start3A_21 = arith.constant 0 : i32
    %dma_start3A_22 = tpu.memref_slice %arg5[%mul3A_2, %dma_start3A_21] : memref<2048x384xi32, #tpu.memory_space<hbm>> -> memref<64x384xi32, #tpu.memory_space<hbm>>
    %dma_start3A_23 = arith.constant 0 : i32
    %dma_start3A_24 = tpu.memref_slice %arg5[%mul3A_2, %dma_start3A_23] : memref<2048x384xi32, #tpu.memory_space<hbm>> -> memref<64x384xi32, #tpu.memory_space<hbm>>
    tpu.enqueue_dma source(%arg7 : memref<64x384xi32, #tpu.memory_space<vmem>>) target(%dma_start3A_24 : memref<64x384xi32, #tpu.memory_space<hbm>>) target_semaphore(%arg11 : memref<!tpu.dma_semaphore, #tpu.memory_space<semaphore_mem>>)
    %dma_start3A_25 = arith.constant 0 : i32
    %dma_start3A_26 = tpu.memref_slice %arg6[%mul3A_2, %dma_start3A_25] : memref<2048x384xi32, #tpu.memory_space<hbm>> -> memref<64x384xi32, #tpu.memory_space<hbm>>
    %dma_start3A_27 = arith.constant 0 : i32
    %dma_start3A_28 = tpu.memref_slice %arg6[%mul3A_2, %dma_start3A_27] : memref<2048x384xi32, #tpu.memory_space<hbm>> -> memref<64x384xi32, #tpu.memory_space<hbm>>
    tpu.enqueue_dma source(%arg8 : memref<64x384xi32, #tpu.memory_space<vmem>>) target(%dma_start3A_28 : memref<64x384xi32, #tpu.memory_space<hbm>>) target_semaphore(%arg12 : memref<!tpu.dma_semaphore, #tpu.memory_space<semaphore_mem>>)
    %dma_wait3A_29 = arith.constant 0 : i32
    %dma_wait3A_30 = tpu.memref_slice %arg5[%mul3A_2, %dma_wait3A_29] : memref<2048x384xi32, #tpu.memory_space<hbm>> -> memref<64x384xi32, #tpu.memory_space<hbm>>
    %dma_wait3A_31 = arith.constant 0 : i32
    %dma_wait3A_32 = tpu.memref_slice %arg5[%mul3A_2, %dma_wait3A_31] : memref<2048x384xi32, #tpu.memory_space<hbm>> -> memref<64x384xi32, #tpu.memory_space<hbm>>
    tpu.wait_dma2 semaphore(%arg11 : memref<!tpu.dma_semaphore, #tpu.memory_space<semaphore_mem>>) src(%arg7 : memref<64x384xi32, #tpu.memory_space<vmem>>) dst(%dma_wait3A_32 : memref<64x384xi32, #tpu.memory_space<hbm>>)
    %dma_wait3A_33 = arith.constant 0 : i32
    %dma_wait3A_34 = tpu.memref_slice %arg6[%mul3A_2, %dma_wait3A_33] : memref<2048x384xi32, #tpu.memory_space<hbm>> -> memref<64x384xi32, #tpu.memory_space<hbm>>
    %dma_wait3A_35 = arith.constant 0 : i32
    %dma_wait3A_36 = tpu.memref_slice %arg6[%mul3A_2, %dma_wait3A_35] : memref<2048x384xi32, #tpu.memory_space<hbm>> -> memref<64x384xi32, #tpu.memory_space<hbm>>
    tpu.wait_dma2 semaphore(%arg12 : memref<!tpu.dma_semaphore, #tpu.memory_space<semaphore_mem>>) src(%arg8 : memref<64x384xi32, #tpu.memory_space<vmem>>) dst(%dma_wait3A_36 : memref<64x384xi32, #tpu.memory_space<hbm>>)
    return
  }
}

#map = affine_map<(d0, d1) -> (0, 0)>
#map1 = affine_map<(d0, d1) -> (0)>
module attributes {stable_mosaic.version = 14 : i64} {
  func.func @_sc_scatter_body(%arg0: i32, %arg1: i32, %arg2: memref<2048x384xi32, #tpu.memory_space<hbm>>, %arg3: memref<2048xi32, #tpu.memory_space<hbm>>, %arg4: memref<2048xi32, #tpu.memory_space<hbm>>, %arg5: memref<6144x384xi32, #tpu.memory_space<hbm>>, %arg6: memref<64x384xi32, #tpu.memory_space<vmem>>, %arg7: memref<64xi32, #tpu.memory_space<vmem>>, %arg8: memref<64xi32, #tpu.memory_space<vmem>>, %arg9: memref<!tpu.dma_semaphore, #tpu.memory_space<semaphore_mem>>, %arg10: memref<!tpu.dma_semaphore, #tpu.memory_space<semaphore_mem>>) attributes {dimension_semantics = [#tpu.dimension_semantics<core_parallel>, #tpu.dimension_semantics<subcore_parallel>], iteration_bounds = array<i64: 2, 16>, scalar_prefetch = 0 : i64, scratch_operands = 5 : i64, tpu.core_type = #tpu.core_type<sc_vector_subcore>, window_params = [{transform_indices = #map}, {transform_indices = #map1}, {transform_indices = #map1}, {transform_indices = #map}]} {
    %mul3A = arith.constant 2 : i32
    %mul3A_0 = arith.muli %arg1, %mul3A : i32
    %add3A = arith.addi %mul3A_0, %arg0 : i32
    %mul3A_1 = arith.constant 64 : i32
    %mul3A_2 = arith.muli %add3A, %mul3A_1 : i32
    %dma_start3A = arith.constant 0 : i32
    %dma_start3A_3 = tpu.memref_slice %arg2[%mul3A_2, %dma_start3A] : memref<2048x384xi32, #tpu.memory_space<hbm>> -> memref<64x384xi32, #tpu.memory_space<hbm>>
    %dma_start3A_4 = arith.constant 0 : i32
    %dma_start3A_5 = tpu.memref_slice %arg2[%mul3A_2, %dma_start3A_4] : memref<2048x384xi32, #tpu.memory_space<hbm>> -> memref<64x384xi32, #tpu.memory_space<hbm>>
    tpu.enqueue_dma source(%dma_start3A_5 : memref<64x384xi32, #tpu.memory_space<hbm>>) target(%arg6 : memref<64x384xi32, #tpu.memory_space<vmem>>) target_semaphore(%arg9 : memref<!tpu.dma_semaphore, #tpu.memory_space<semaphore_mem>>)
    %dma_start3A_6 = tpu.memref_slice %arg3[%mul3A_2] : memref<2048xi32, #tpu.memory_space<hbm>> -> memref<64xi32, #tpu.memory_space<hbm>>
    %dma_start3A_7 = tpu.memref_slice %arg3[%mul3A_2] : memref<2048xi32, #tpu.memory_space<hbm>> -> memref<64xi32, #tpu.memory_space<hbm>>
    tpu.enqueue_dma source(%dma_start3A_7 : memref<64xi32, #tpu.memory_space<hbm>>) target(%arg7 : memref<64xi32, #tpu.memory_space<vmem>>) target_semaphore(%arg10 : memref<!tpu.dma_semaphore, #tpu.memory_space<semaphore_mem>>)
    %dma_start3A_8 = tpu.memref_slice %arg4[%mul3A_2] : memref<2048xi32, #tpu.memory_space<hbm>> -> memref<64xi32, #tpu.memory_space<hbm>>
    %dma_start3A_9 = tpu.memref_slice %arg4[%mul3A_2] : memref<2048xi32, #tpu.memory_space<hbm>> -> memref<64xi32, #tpu.memory_space<hbm>>
    tpu.enqueue_dma source(%dma_start3A_9 : memref<64xi32, #tpu.memory_space<hbm>>) target(%arg8 : memref<64xi32, #tpu.memory_space<vmem>>) target_semaphore(%arg10 : memref<!tpu.dma_semaphore, #tpu.memory_space<semaphore_mem>>)
    %dma_wait3A = arith.constant 0 : i32
    %dma_wait3A_10 = tpu.memref_slice %arg2[%mul3A_2, %dma_wait3A] : memref<2048x384xi32, #tpu.memory_space<hbm>> -> memref<64x384xi32, #tpu.memory_space<hbm>>
    %dma_wait3A_11 = arith.constant 0 : i32
    %dma_wait3A_12 = tpu.memref_slice %arg2[%mul3A_2, %dma_wait3A_11] : memref<2048x384xi32, #tpu.memory_space<hbm>> -> memref<64x384xi32, #tpu.memory_space<hbm>>
    tpu.wait_dma2 semaphore(%arg9 : memref<!tpu.dma_semaphore, #tpu.memory_space<semaphore_mem>>) src(%dma_wait3A_12 : memref<64x384xi32, #tpu.memory_space<hbm>>) dst(%arg6 : memref<64x384xi32, #tpu.memory_space<vmem>>)
    %dma_wait3A_13 = tpu.memref_slice %arg3[%mul3A_2] : memref<2048xi32, #tpu.memory_space<hbm>> -> memref<64xi32, #tpu.memory_space<hbm>>
    %dma_wait3A_14 = tpu.memref_slice %arg3[%mul3A_2] : memref<2048xi32, #tpu.memory_space<hbm>> -> memref<64xi32, #tpu.memory_space<hbm>>
    tpu.wait_dma2 semaphore(%arg10 : memref<!tpu.dma_semaphore, #tpu.memory_space<semaphore_mem>>) src(%dma_wait3A_14 : memref<64xi32, #tpu.memory_space<hbm>>) dst(%arg7 : memref<64xi32, #tpu.memory_space<vmem>>)
    %dma_wait3A_15 = tpu.memref_slice %arg4[%mul3A_2] : memref<2048xi32, #tpu.memory_space<hbm>> -> memref<64xi32, #tpu.memory_space<hbm>>
    %dma_wait3A_16 = tpu.memref_slice %arg4[%mul3A_2] : memref<2048xi32, #tpu.memory_space<hbm>> -> memref<64xi32, #tpu.memory_space<hbm>>
    tpu.wait_dma2 semaphore(%arg10 : memref<!tpu.dma_semaphore, #tpu.memory_space<semaphore_mem>>) src(%dma_wait3A_16 : memref<64xi32, #tpu.memory_space<hbm>>) dst(%arg8 : memref<64xi32, #tpu.memory_space<vmem>>)
    %dma_start3A_17 = arith.constant 0 : i32
    %dma_start3A_18 = arith.constant 0 : i32
    %dma_start3A_19 = tpu.memref_slice %arg5[%dma_start3A_17, %dma_start3A_18] : memref<6144x384xi32, #tpu.memory_space<hbm>> -> memref<6144x384xi32, #tpu.memory_space<hbm>>
    tpu.enqueue_indirect_dma source(%arg6 : memref<64x384xi32, #tpu.memory_space<vmem>>) target(%dma_start3A_19 : memref<6144x384xi32, #tpu.memory_space<hbm>>) offsets(%arg7 : memref<64xi32, #tpu.memory_space<vmem>>) semaphore(%arg9 : memref<!tpu.dma_semaphore, #tpu.memory_space<semaphore_mem>>)
    %dma_start3A_20 = arith.constant 0 : i32
    %dma_start3A_21 = arith.constant 0 : i32
    %dma_start3A_22 = tpu.memref_slice %arg5[%dma_start3A_20, %dma_start3A_21] : memref<6144x384xi32, #tpu.memory_space<hbm>> -> memref<6144x384xi32, #tpu.memory_space<hbm>>
    tpu.enqueue_indirect_dma source(%arg6 : memref<64x384xi32, #tpu.memory_space<vmem>>) target(%dma_start3A_22 : memref<6144x384xi32, #tpu.memory_space<hbm>>) offsets(%arg8 : memref<64xi32, #tpu.memory_space<vmem>>) semaphore(%arg10 : memref<!tpu.dma_semaphore, #tpu.memory_space<semaphore_mem>>)
    %dma_wait3A_23 = arith.constant 0 : i32
    %dma_wait3A_24 = arith.constant 0 : i32
    %dma_wait3A_25 = tpu.memref_slice %arg5[%dma_wait3A_23, %dma_wait3A_24] : memref<6144x384xi32, #tpu.memory_space<hbm>> -> memref<6144x384xi32, #tpu.memory_space<hbm>>
    tpu.wait_indirect_dma semaphore(%arg9 : memref<!tpu.dma_semaphore, #tpu.memory_space<semaphore_mem>>) src(%arg6 : memref<64x384xi32, #tpu.memory_space<vmem>>) dst(%dma_wait3A_25 : memref<6144x384xi32, #tpu.memory_space<hbm>>)
    %dma_wait3A_26 = arith.constant 0 : i32
    %dma_wait3A_27 = arith.constant 0 : i32
    %dma_wait3A_28 = tpu.memref_slice %arg5[%dma_wait3A_26, %dma_wait3A_27] : memref<6144x384xi32, #tpu.memory_space<hbm>> -> memref<6144x384xi32, #tpu.memory_space<hbm>>
    tpu.wait_indirect_dma semaphore(%arg10 : memref<!tpu.dma_semaphore, #tpu.memory_space<semaphore_mem>>) src(%arg6 : memref<64x384xi32, #tpu.memory_space<vmem>>) dst(%dma_wait3A_28 : memref<6144x384xi32, #tpu.memory_space<hbm>>)
    return
  }
}

module attributes {stable_mosaic.version = 14 : i64} {
  func.func @_router_body(%arg0: i32, %arg1: memref<2048x768xf32, #tpu.memory_space<vmem>>, %arg2: memref<8x768xf32, #tpu.memory_space<vmem>>, %arg3: memref<1x8xf32, #tpu.memory_space<vmem>>, %arg4: memref<2048x1xi32, #tpu.memory_space<vmem>>, %arg5: memref<2048x1xi32, #tpu.memory_space<vmem>>, %arg6: memref<2048x1xf32, #tpu.memory_space<vmem>>, %arg7: memref<2048x1xf32, #tpu.memory_space<vmem>>, %arg8: memref<104x1xi32, #tpu.memory_space<vmem>>, %arg9: memref<2048x384xi32, #tpu.memory_space<vmem>>) attributes {dimension_semantics = [#tpu.dimension_semantics<arbitrary>], iteration_bounds = array<i64: 1>, scalar_prefetch = 0 : i64, scratch_operands = 0 : i64, tpu.core_type = #tpu.core_type<tc>, window_params = [{pipeline_mode = #tpu.pipeline_mode<synchronous>, transform_indices = @transform_0, window_bounds = array<i64: 2048, 768>}, {pipeline_mode = #tpu.pipeline_mode<synchronous>, transform_indices = @transform_1, window_bounds = array<i64: 8, 768>}, {pipeline_mode = #tpu.pipeline_mode<synchronous>, transform_indices = @transform_2, window_bounds = array<i64: 1, 8>}, {pipeline_mode = #tpu.pipeline_mode<synchronous>, transform_indices = @transform_3, window_bounds = array<i64: 2048, 1>}, {pipeline_mode = #tpu.pipeline_mode<synchronous>, transform_indices = @transform_4, window_bounds = array<i64: 2048, 1>}, {pipeline_mode = #tpu.pipeline_mode<synchronous>, transform_indices = @transform_5, window_bounds = array<i64: 2048, 1>}, {pipeline_mode = #tpu.pipeline_mode<synchronous>, transform_indices = @transform_6, window_bounds = array<i64: 2048, 1>}, {pipeline_mode = #tpu.pipeline_mode<synchronous>, transform_indices = @transform_7, window_bounds = array<i64: 104, 1>}, {pipeline_mode = #tpu.pipeline_mode<synchronous>, transform_indices = @transform_8, window_bounds = array<i64: 2048, 384>}]} {
    %get3A = arith.constant 0 : index
    %get3A_0 = arith.constant 0 : index
    %get3A_1 = vector.load %arg1[%get3A, %get3A_0] : memref<2048x768xf32, #tpu.memory_space<vmem>>, vector<2048x768xf32>
    %convert_element_type3A = arith.truncf %get3A_1 : vector<2048x768xf32> to vector<2048x768xbf16>
    %convert_element_type3A_2 = arith.extf %convert_element_type3A : vector<2048x768xbf16> to vector<2048x768xf32>
    %bitcast_convert_type3A = tpu.bitcast %convert_element_type3A_2 : vector<2048x768xf32> -> vector<2048x768xi32>
    %slice3A = vector.extract_strided_slice %bitcast_convert_type3A {offsets = [0, 0], sizes = [2048, 384], strides = [1, 1]} : vector<2048x768xi32> to vector<2048x384xi32>
    %slice3A_3 = vector.extract_strided_slice %bitcast_convert_type3A {offsets = [0, 384], sizes = [2048, 384], strides = [1, 1]} : vector<2048x768xi32> to vector<2048x384xi32>
    %shift_right_logical3A = arith.constant 16 : i32
    %shift_right_logical3A_4 = vector.broadcast %shift_right_logical3A : i32 to vector<2048x384xi32>
    %shift_right_logical3A_5 = arith.shrui %slice3A, %shift_right_logical3A_4 : vector<2048x384xi32>
    %and3A = arith.constant -65536 : i32
    %and3A_6 = vector.broadcast %and3A : i32 to vector<2048x384xi32>
    %and3A_7 = arith.andi %slice3A_3, %and3A_6 : vector<2048x384xi32>
    %or3A = arith.ori %shift_right_logical3A_5, %and3A_7 : vector<2048x384xi32>
    %swap3A = arith.constant 0 : index
    %swap3A_8 = arith.constant 0 : index
    %swap3A_9 = vector.load %arg9[%swap3A, %swap3A_8] : memref<2048x384xi32, #tpu.memory_space<vmem>>, vector<2048x384xi32>
    tpu.vector_store %arg9[%swap3A, %swap3A_8], %or3A {strides = array<i32>} : memref<2048x384xi32, #tpu.memory_space<vmem>>, vector<2048x384xi32>,
    %convert_element_type3A_10 = arith.truncf %get3A_1 : vector<2048x768xf32> to vector<2048x768xbf16>
    %get3A_11 = arith.constant 0 : index
    %get3A_12 = arith.constant 0 : index
    %get3A_13 = vector.load %arg2[%get3A_11, %get3A_12] : memref<8x768xf32, #tpu.memory_space<vmem>>, vector<8x768xf32>
    %convert_element_type3A_14 = arith.truncf %get3A_13 : vector<8x768xf32> to vector<8x768xbf16>
    %dot_general3A = arith.constant dense<0.000000e+00> : vector<2048x8xf32>
    %dot_general3A_15 = tpu.matmul %convert_element_type3A_10, %convert_element_type3A_14, %dot_general3A {dimension_numbers = #tpu.dot_dimension_numbers<[1], [1], [0], [0], [0, 0, 1, 0], [], []>, transpose_lhs_hint = false} : vector<2048x768xbf16>, vector<8x768xbf16>, vector<2048x8xf32> -> vector<2048x8xf32>
    %get3A_16 = arith.constant 0 : index
    %get3A_17 = arith.constant 0 : index
    %get3A_18 = vector.load %arg3[%get3A_16, %get3A_17] : memref<1x8xf32, #tpu.memory_space<vmem>>, vector<1x8xf32>
    %add3A = vector.broadcast %get3A_18 : vector<1x8xf32> to vector<2048x8xf32>
    %add3A_19 = arith.addf %dot_general3A_15, %add3A : vector<2048x8xf32>
    %iota3A = tpu.iota {dimensions = array<i32: 1>} : vector<2048x8xi32>
    %reduce_max3A = arith.constant dense<0xFF800000> : vector<2048xf32>
    %reduce_max3A_20 = vector.multi_reduction <maximumf>, %add3A_19, %reduce_max3A [1] : vector<2048x8xf32> to vector<2048xf32>
    %broadcast_in_dim3A = vector.shape_cast %reduce_max3A_20 : vector<2048xf32> to vector<2048x1xf32>
    %ge3A = vector.broadcast %broadcast_in_dim3A : vector<2048x1xf32> to vector<2048x8xf32>
    %ge3A_21 = arith.cmpf oge, %add3A_19, %ge3A : vector<2048x8xf32>
    %jit3A = arith.constant 8 : i32
    %broadcast_in_dim3A_22 = vector.broadcast %jit3A : i32 to vector<2048x8xi32>
    %select_n3A = arith.select %ge3A_21, %iota3A, %broadcast_in_dim3A_22 : vector<2048x8xi1>, vector<2048x8xi32>
    %reduce_min3A = arith.constant dense<2147483647> : vector<2048xi32>
    %reduce_min3A_23 = vector.multi_reduction <minsi>, %select_n3A, %reduce_min3A [1] : vector<2048x8xi32> to vector<2048xi32>
    %broadcast_in_dim3A_24 = vector.shape_cast %reduce_min3A_23 : vector<2048xi32> to vector<2048x1xi32>
    %eq3A = vector.broadcast %broadcast_in_dim3A_24 : vector<2048x1xi32> to vector<2048x8xi32>
    %eq3A_25 = arith.cmpi eq, %iota3A, %eq3A : vector<2048x8xi32>
    %jit3A_26 = arith.constant 0xFF800000 : f32
    %broadcast_in_dim3A_27 = vector.broadcast %jit3A_26 : f32 to vector<2048x8xf32>
    %select_n3A_28 = arith.select %eq3A_25, %broadcast_in_dim3A_27, %add3A_19 : vector<2048x8xi1>, vector<2048x8xf32>
    %reduce_max3A_29 = arith.constant dense<0xFF800000> : vector<2048xf32>
    %reduce_max3A_30 = vector.multi_reduction <maximumf>, %select_n3A_28, %reduce_max3A_29 [1] : vector<2048x8xf32> to vector<2048xf32>
    %broadcast_in_dim3A_31 = vector.shape_cast %reduce_max3A_30 : vector<2048xf32> to vector<2048x1xf32>
    %ge3A_32 = vector.broadcast %broadcast_in_dim3A_31 : vector<2048x1xf32> to vector<2048x8xf32>
    %ge3A_33 = arith.cmpf oge, %select_n3A_28, %ge3A_32 : vector<2048x8xf32>
    %jit3A_34 = arith.constant 8 : i32
    %broadcast_in_dim3A_35 = vector.broadcast %jit3A_34 : i32 to vector<2048x8xi32>
    %select_n3A_36 = arith.select %ge3A_33, %iota3A, %broadcast_in_dim3A_35 : vector<2048x8xi1>, vector<2048x8xi32>
    %reduce_min3A_37 = arith.constant dense<2147483647> : vector<2048xi32>
    %reduce_min3A_38 = vector.multi_reduction <minsi>, %select_n3A_36, %reduce_min3A_37 [1] : vector<2048x8xi32> to vector<2048xi32>
    %broadcast_in_dim3A_39 = vector.shape_cast %reduce_min3A_38 : vector<2048xi32> to vector<2048x1xi32>
    %sub3A = arith.subf %broadcast_in_dim3A_31, %broadcast_in_dim3A : vector<2048x1xf32>
    %exp3A = math.exp %sub3A : vector<2048x1xf32>
    %add3A_40 = arith.constant 1.000000e+00 : f32
    %add3A_41 = vector.broadcast %add3A_40 : f32 to vector<2048x1xf32>
    %add3A_42 = arith.addf %add3A_41, %exp3A : vector<2048x1xf32>
    %div3A = arith.constant 1.000000e+00 : f32
    %div3A_43 = vector.broadcast %div3A : f32 to vector<2048x1xf32>
    %div3A_44 = arith.divf %div3A_43, %add3A_42 : vector<2048x1xf32>
    %swap3A_45 = arith.constant 0 : index
    %swap3A_46 = arith.constant 0 : index
    %swap3A_47 = vector.load %arg6[%swap3A_45, %swap3A_46] : memref<2048x1xf32, #tpu.memory_space<vmem>>, vector<2048x1xf32>
    tpu.vector_store %arg6[%swap3A_45, %swap3A_46], %div3A_44 {strides = array<i32>} : memref<2048x1xf32, #tpu.memory_space<vmem>>, vector<2048x1xf32>,
    %sub3A_48 = arith.constant 1.000000e+00 : f32
    %sub3A_49 = vector.broadcast %sub3A_48 : f32 to vector<2048x1xf32>
    %sub3A_50 = arith.subf %sub3A_49, %div3A_44 : vector<2048x1xf32>
    %swap3A_51 = arith.constant 0 : index
    %swap3A_52 = arith.constant 0 : index
    %swap3A_53 = vector.load %arg7[%swap3A_51, %swap3A_52] : memref<2048x1xf32, #tpu.memory_space<vmem>>, vector<2048x1xf32>
    tpu.vector_store %arg7[%swap3A_51, %swap3A_52], %sub3A_50 {strides = array<i32>} : memref<2048x1xf32, #tpu.memory_space<vmem>>, vector<2048x1xf32>,
    %eq3A_54 = vector.broadcast %broadcast_in_dim3A_24 : vector<2048x1xi32> to vector<2048x8xi32>
    %eq3A_55 = arith.cmpi eq, %iota3A, %eq3A_54 : vector<2048x8xi32>
    %eq3A_56 = vector.broadcast %broadcast_in_dim3A_39 : vector<2048x1xi32> to vector<2048x8xi32>
    %eq3A_57 = arith.cmpi eq, %iota3A, %eq3A_56 : vector<2048x8xi32>
    %or3A_58 = arith.ori %eq3A_55, %eq3A_57 : vector<2048x8xi1>
    %convert_element_type3A_59 = arith.extui %or3A_58 : vector<2048x8xi1> to vector<2048x8xi32>
    %convert_element_type3A_60 = arith.sitofp %convert_element_type3A_59 : vector<2048x8xi32> to vector<2048x8xf32>
    %convert_element_type3A_61 = arith.truncf %convert_element_type3A_60 : vector<2048x8xf32> to vector<2048x8xbf16>
    %iota3A_62 = tpu.iota {dimensions = array<i32: 1>} : vector<2048x2048xi32>
    %iota3A_63 = tpu.iota {dimensions = array<i32: 0>} : vector<2048x2048xi32>
    %lt3A = arith.cmpi slt, %iota3A_62, %iota3A_63 : vector<2048x2048xi32>
    %convert_element_type3A_64 = arith.extui %lt3A : vector<2048x2048xi1> to vector<2048x2048xi32>
    %convert_element_type3A_65 = arith.sitofp %convert_element_type3A_64 : vector<2048x2048xi32> to vector<2048x2048xf32>
    %convert_element_type3A_66 = arith.truncf %convert_element_type3A_65 : vector<2048x2048xf32> to vector<2048x2048xbf16>
    %dot_general3A_67 = arith.constant dense<0.000000e+00> : vector<2048x8xf32>
    %dot_general3A_68 = tpu.matmul %convert_element_type3A_66, %convert_element_type3A_61, %dot_general3A_67 {dimension_numbers = #tpu.dot_dimension_numbers<[1], [0], [0], [1], [0, 0, 1, 1], [], []>, transpose_lhs_hint = false} : vector<2048x2048xbf16>, vector<2048x8xbf16>, vector<2048x8xf32> -> vector<2048x8xf32>
    %convert_element_type3A_69 = arith.extf %convert_element_type3A_61 : vector<2048x8xbf16> to vector<2048x8xf32>
    %reduce_sum3A = arith.constant dense<0.000000e+00> : vector<8xf32>
    %reduce_sum3A_70 = vector.multi_reduction <add>, %convert_element_type3A_69, %reduce_sum3A [0] : vector<2048x8xf32> to vector<8xf32>
    %broadcast_in_dim3A_71 = vector.shape_cast %reduce_sum3A_70 : vector<8xf32> to vector<1x8xf32>
    %convert_element_type3A_72 = arith.fptosi %broadcast_in_dim3A_71 : vector<1x8xf32> to vector<1x8xi32>
    %add3A_73 = arith.constant 256 : i32
    %add3A_74 = vector.broadcast %add3A_73 : i32 to vector<1x8xi32>
    %add3A_75 = arith.addi %convert_element_type3A_72, %add3A_74 : vector<1x8xi32>
    %sub3A_76 = arith.constant 1 : i32
    %sub3A_77 = vector.broadcast %sub3A_76 : i32 to vector<1x8xi32>
    %sub3A_78 = arith.subi %add3A_75, %sub3A_77 : vector<1x8xi32>
    %jit3A_79 = arith.constant 256 : i32
    %div3A_80 = vector.broadcast %jit3A_79 : i32 to vector<1x8xi32>
    %div3A_81 = arith.divsi %sub3A_78, %div3A_80 : vector<1x8xi32>
    %sign3A = arith.constant 0 : i32
    %sign3A_82 = vector.broadcast %sign3A : i32 to vector<1x8xi32>
    %sign3A_83 = arith.cmpi sgt, %sub3A_78, %sign3A_82 : vector<1x8xi32>
    %sign3A_84 = arith.extui %sign3A_83 : vector<1x8xi1> to vector<1x8xi32>
    %sign3A_85 = arith.constant 0 : i32
    %sign3A_86 = vector.broadcast %sign3A_85 : i32 to vector<1x8xi32>
    %sign3A_87 = arith.cmpi slt, %sub3A_78, %sign3A_86 : vector<1x8xi32>
    %sign3A_88 = arith.extui %sign3A_87 : vector<1x8xi1> to vector<1x8xi32>
    %sign3A_89 = arith.subi %sign3A_84, %sign3A_88 : vector<1x8xi32>
    %sign3A_90 = arith.constant 0 : i32
    %sign3A_91 = arith.cmpi sgt, %jit3A_79, %sign3A_90 : i32
    %sign3A_92 = arith.extui %sign3A_91 : i1 to i32
    %sign3A_93 = arith.constant 0 : i32
    %sign3A_94 = arith.cmpi slt, %jit3A_79, %sign3A_93 : i32
    %sign3A_95 = arith.extui %sign3A_94 : i1 to i32
    %sign3A_96 = arith.subi %sign3A_92, %sign3A_95 : i32
    %ne3A = vector.broadcast %sign3A_96 : i32 to vector<1x8xi32>
    %ne3A_97 = arith.cmpi ne, %sign3A_89, %ne3A : vector<1x8xi32>
    %rem3A = vector.broadcast %jit3A_79 : i32 to vector<1x8xi32>
    %rem3A_98 = arith.remsi %sub3A_78, %rem3A : vector<1x8xi32>
    %ne3A_99 = arith.constant 0 : i32
    %ne3A_100 = vector.broadcast %ne3A_99 : i32 to vector<1x8xi32>
    %ne3A_101 = arith.cmpi ne, %rem3A_98, %ne3A_100 : vector<1x8xi32>
    %and3A_102 = arith.andi %ne3A_97, %ne3A_101 : vector<1x8xi1>
    %sub3A_103 = arith.constant 1 : i32
    %sub3A_104 = vector.broadcast %sub3A_103 : i32 to vector<1x8xi32>
    %sub3A_105 = arith.subi %div3A_81, %sub3A_104 : vector<1x8xi32>
    %select_n3A_106 = arith.select %and3A_102, %sub3A_105, %div3A_81 : vector<1x8xi1>, vector<1x8xi32>
    %mul3A = arith.constant 256 : i32
    %mul3A_107 = vector.broadcast %mul3A : i32 to vector<1x8xi32>
    %mul3A_108 = arith.muli %select_n3A_106, %mul3A_107 : vector<1x8xi32>
    %iota3A_109 = tpu.iota {dimensions = array<i32: 0>} : vector<8x8xi32>
    %iota3A_110 = tpu.iota {dimensions = array<i32: 1>} : vector<8x8xi32>
    %lt3A_111 = arith.cmpi slt, %iota3A_109, %iota3A_110 : vector<8x8xi32>
    %convert_element_type3A_112 = arith.extui %lt3A_111 : vector<8x8xi1> to vector<8x8xi32>
    %convert_element_type3A_113 = arith.sitofp %convert_element_type3A_112 : vector<8x8xi32> to vector<8x8xf32>
    %convert_element_type3A_114 = arith.sitofp %mul3A_108 : vector<1x8xi32> to vector<1x8xf32>
    %dot_general3A_115 = arith.constant dense<0.000000e+00> : vector<1x8xf32>
    %dot_general3A_116 = tpu.matmul %convert_element_type3A_114, %convert_element_type3A_113, %dot_general3A_115 {dimension_numbers = #tpu.dot_dimension_numbers<[1], [0], [0], [1], [0, 0, 1, 1], [], []>, precision = #tpu.contract_precision<fp32>, transpose_lhs_hint = false} : vector<1x8xf32>, vector<8x8xf32>, vector<1x8xf32> -> vector<1x8xf32>
    %eq3A_117 = vector.broadcast %broadcast_in_dim3A_24 : vector<2048x1xi32> to vector<2048x8xi32>
    %eq3A_118 = arith.cmpi eq, %iota3A, %eq3A_117 : vector<2048x8xi32>
    %jit3A_119 = arith.constant 0.000000e+00 : f32
    %broadcast_in_dim3A_120 = vector.broadcast %jit3A_119 : f32 to vector<2048x8xf32>
    %select_n3A_121 = arith.select %eq3A_118, %dot_general3A_68, %broadcast_in_dim3A_120 : vector<2048x8xi1>, vector<2048x8xf32>
    %reduce_sum3A_122 = arith.constant dense<0.000000e+00> : vector<2048xf32>
    %reduce_sum3A_123 = vector.multi_reduction <add>, %select_n3A_121, %reduce_sum3A_122 [1] : vector<2048x8xf32> to vector<2048xf32>
    %broadcast_in_dim3A_124 = vector.shape_cast %reduce_sum3A_123 : vector<2048xf32> to vector<2048x1xf32>
    %eq3A_125 = vector.broadcast %broadcast_in_dim3A_39 : vector<2048x1xi32> to vector<2048x8xi32>
    %eq3A_126 = arith.cmpi eq, %iota3A, %eq3A_125 : vector<2048x8xi32>
    %jit3A_127 = arith.constant 0.000000e+00 : f32
    %broadcast_in_dim3A_128 = vector.broadcast %jit3A_127 : f32 to vector<2048x8xf32>
    %select_n3A_129 = arith.select %eq3A_126, %dot_general3A_68, %broadcast_in_dim3A_128 : vector<2048x8xi1>, vector<2048x8xf32>
    %reduce_sum3A_130 = arith.constant dense<0.000000e+00> : vector<2048xf32>
    %reduce_sum3A_131 = vector.multi_reduction <add>, %select_n3A_129, %reduce_sum3A_130 [1] : vector<2048x8xf32> to vector<2048xf32>
    %broadcast_in_dim3A_132 = vector.shape_cast %reduce_sum3A_131 : vector<2048xf32> to vector<2048x1xf32>
    %eq3A_133 = vector.broadcast %broadcast_in_dim3A_24 : vector<2048x1xi32> to vector<2048x8xi32>
    %eq3A_134 = arith.cmpi eq, %iota3A, %eq3A_133 : vector<2048x8xi32>
    %jit3A_135 = arith.constant 0.000000e+00 : f32
    %broadcast_in_dim3A_136 = vector.shape_cast %dot_general3A_116 : vector<1x8xf32> to vector<1x8xf32>
    %broadcast_in_dim3A_137 = vector.broadcast %broadcast_in_dim3A_136 : vector<1x8xf32> to vector<2048x8xf32>
    %broadcast_in_dim3A_138 = vector.broadcast %jit3A_135 : f32 to vector<2048x8xf32>
    %select_n3A_139 = arith.select %eq3A_134, %broadcast_in_dim3A_137, %broadcast_in_dim3A_138 : vector<2048x8xi1>, vector<2048x8xf32>
    %reduce_sum3A_140 = arith.constant dense<0.000000e+00> : vector<2048xf32>
    %reduce_sum3A_141 = vector.multi_reduction <add>, %select_n3A_139, %reduce_sum3A_140 [1] : vector<2048x8xf32> to vector<2048xf32>
    %broadcast_in_dim3A_142 = vector.shape_cast %reduce_sum3A_141 : vector<2048xf32> to vector<2048x1xf32>
    %eq3A_143 = vector.broadcast %broadcast_in_dim3A_39 : vector<2048x1xi32> to vector<2048x8xi32>
    %eq3A_144 = arith.cmpi eq, %iota3A, %eq3A_143 : vector<2048x8xi32>
    %jit3A_145 = arith.constant 0.000000e+00 : f32
    %broadcast_in_dim3A_146 = vector.shape_cast %dot_general3A_116 : vector<1x8xf32> to vector<1x8xf32>
    %broadcast_in_dim3A_147 = vector.broadcast %broadcast_in_dim3A_146 : vector<1x8xf32> to vector<2048x8xf32>
    %broadcast_in_dim3A_148 = vector.broadcast %jit3A_145 : f32 to vector<2048x8xf32>
    %select_n3A_149 = arith.select %eq3A_144, %broadcast_in_dim3A_147, %broadcast_in_dim3A_148 : vector<2048x8xi1>, vector<2048x8xf32>
    %reduce_sum3A_150 = arith.constant dense<0.000000e+00> : vector<2048xf32>
    %reduce_sum3A_151 = vector.multi_reduction <add>, %select_n3A_149, %reduce_sum3A_150 [1] : vector<2048x8xf32> to vector<2048xf32>
    %broadcast_in_dim3A_152 = vector.shape_cast %reduce_sum3A_151 : vector<2048xf32> to vector<2048x1xf32>
    %add3A_153 = arith.addf %broadcast_in_dim3A_142, %broadcast_in_dim3A_124 : vector<2048x1xf32>
    %convert_element_type3A_154 = arith.fptosi %add3A_153 : vector<2048x1xf32> to vector<2048x1xi32>
    %swap3A_155 = arith.constant 0 : index
    %swap3A_156 = arith.constant 0 : index
    %swap3A_157 = vector.load %arg4[%swap3A_155, %swap3A_156] : memref<2048x1xi32, #tpu.memory_space<vmem>>, vector<2048x1xi32>
    tpu.vector_store %arg4[%swap3A_155, %swap3A_156], %convert_element_type3A_154 {strides = array<i32>} : memref<2048x1xi32, #tpu.memory_space<vmem>>, vector<2048x1xi32>,
    %add3A_158 = arith.addf %broadcast_in_dim3A_152, %broadcast_in_dim3A_132 : vector<2048x1xf32>
    %convert_element_type3A_159 = arith.fptosi %add3A_158 : vector<2048x1xf32> to vector<2048x1xi32>
    %swap3A_160 = arith.constant 0 : index
    %swap3A_161 = arith.constant 0 : index
    %swap3A_162 = vector.load %arg5[%swap3A_160, %swap3A_161] : memref<2048x1xi32, #tpu.memory_space<vmem>>, vector<2048x1xi32>
    tpu.vector_store %arg5[%swap3A_160, %swap3A_161], %convert_element_type3A_159 {strides = array<i32>} : memref<2048x1xi32, #tpu.memory_space<vmem>>, vector<2048x1xi32>,
    %convert_element_type3A_163 = arith.fptosi %dot_general3A_116 : vector<1x8xf32> to vector<1x8xi32>
    %reduce_sum3A_164 = arith.constant dense<0> : vector<1xi32>
    %reduce_sum3A_165 = vector.multi_reduction <add>, %mul3A_108, %reduce_sum3A_164 [1] : vector<1x8xi32> to vector<1xi32>
    %broadcast_in_dim3A_166 = vector.shape_cast %reduce_sum3A_165 : vector<1xi32> to vector<1x1xi32>
    %jit3A_167 = arith.constant 256 : i32
    %div3A_168 = vector.broadcast %jit3A_167 : i32 to vector<1x1xi32>
    %div3A_169 = arith.divsi %broadcast_in_dim3A_166, %div3A_168 : vector<1x1xi32>
    %sign3A_170 = arith.constant 0 : i32
    %sign3A_171 = vector.broadcast %sign3A_170 : i32 to vector<1x1xi32>
    %sign3A_172 = arith.cmpi sgt, %broadcast_in_dim3A_166, %sign3A_171 : vector<1x1xi32>
    %sign3A_173 = arith.extui %sign3A_172 : vector<1x1xi1> to vector<1x1xi32>
    %sign3A_174 = arith.constant 0 : i32
    %sign3A_175 = vector.broadcast %sign3A_174 : i32 to vector<1x1xi32>
    %sign3A_176 = arith.cmpi slt, %broadcast_in_dim3A_166, %sign3A_175 : vector<1x1xi32>
    %sign3A_177 = arith.extui %sign3A_176 : vector<1x1xi1> to vector<1x1xi32>
    %sign3A_178 = arith.subi %sign3A_173, %sign3A_177 : vector<1x1xi32>
    %sign3A_179 = arith.constant 0 : i32
    %sign3A_180 = arith.cmpi sgt, %jit3A_167, %sign3A_179 : i32
    %sign3A_181 = arith.extui %sign3A_180 : i1 to i32
    %sign3A_182 = arith.constant 0 : i32
    %sign3A_183 = arith.cmpi slt, %jit3A_167, %sign3A_182 : i32
    %sign3A_184 = arith.extui %sign3A_183 : i1 to i32
    %sign3A_185 = arith.subi %sign3A_181, %sign3A_184 : i32
    %ne3A_186 = vector.broadcast %sign3A_185 : i32 to vector<1x1xi32>
    %ne3A_187 = arith.cmpi ne, %sign3A_178, %ne3A_186 : vector<1x1xi32>
    %rem3A_188 = vector.broadcast %jit3A_167 : i32 to vector<1x1xi32>
    %rem3A_189 = arith.remsi %broadcast_in_dim3A_166, %rem3A_188 : vector<1x1xi32>
    %ne3A_190 = arith.constant 0 : i32
    %ne3A_191 = vector.broadcast %ne3A_190 : i32 to vector<1x1xi32>
    %ne3A_192 = arith.cmpi ne, %rem3A_189, %ne3A_191 : vector<1x1xi32>
    %and3A_193 = arith.andi %ne3A_187, %ne3A_192 : vector<1x1xi1>
    %sub3A_194 = arith.constant 1 : i32
    %sub3A_195 = vector.broadcast %sub3A_194 : i32 to vector<1x1xi32>
    %sub3A_196 = arith.subi %div3A_169, %sub3A_195 : vector<1x1xi32>
    %select_n3A_197 = arith.select %and3A_193, %sub3A_196, %div3A_169 : vector<1x1xi1>, vector<1x1xi32>
    %iota3A_198 = tpu.iota {dimensions = array<i32: 0>} : vector<24x8xi32>
    %sub3A_199 = arith.constant 1 : i32
    %sub3A_200 = vector.broadcast %sub3A_199 : i32 to vector<1x1xi32>
    %sub3A_201 = arith.subi %select_n3A_197, %sub3A_200 : vector<1x1xi32>
    %min3A = vector.broadcast %sub3A_201 : vector<1x1xi32> to vector<24x8xi32>
    %min3A_202 = arith.minsi %iota3A_198, %min3A : vector<24x8xi32>
    %mul3A_203 = arith.constant 256 : i32
    %mul3A_204 = vector.broadcast %mul3A_203 : i32 to vector<24x8xi32>
    %mul3A_205 = arith.muli %min3A_202, %mul3A_204 : vector<24x8xi32>
    %broadcast_in_dim3A_206 = vector.shape_cast %convert_element_type3A_163 : vector<1x8xi32> to vector<1x8xi32>
    %broadcast_in_dim3A_207 = vector.broadcast %broadcast_in_dim3A_206 : vector<1x8xi32> to vector<24x8xi32>
    %le3A = arith.cmpi sle, %broadcast_in_dim3A_207, %mul3A_205 : vector<24x8xi32>
    %convert_element_type3A_208 = arith.extui %le3A : vector<24x8xi1> to vector<24x8xi32>
    %reduce_sum3A_209 = arith.constant dense<0> : vector<24xi32>
    %reduce_sum3A_210 = vector.multi_reduction <add>, %convert_element_type3A_208, %reduce_sum3A_209 [1] : vector<24x8xi32> to vector<24xi32>
    %broadcast_in_dim3A_211 = vector.shape_cast %reduce_sum3A_210 : vector<24xi32> to vector<24x1xi32>
    %sub3A_212 = arith.constant 1 : i32
    %sub3A_213 = vector.broadcast %sub3A_212 : i32 to vector<24x1xi32>
    %sub3A_214 = arith.subi %broadcast_in_dim3A_211, %sub3A_213 : vector<24x1xi32>
    %jit3A_215 = arith.constant 0 : i32
    %jit3A_216 = arith.constant 7 : i32
    %max3A = vector.broadcast %jit3A_215 : i32 to vector<24x1xi32>
    %max3A_217 = arith.maxsi %max3A, %sub3A_214 : vector<24x1xi32>
    %min3A_218 = vector.broadcast %jit3A_216 : i32 to vector<24x1xi32>
    %min3A_219 = arith.minsi %min3A_218, %max3A_217 : vector<24x1xi32>
    %iota3A_220 = tpu.iota {dimensions = array<i32: 1>} : vector<24x8xi32>
    %gt3A = arith.constant 0.000000e+00 : f32
    %gt3A_221 = vector.broadcast %gt3A : f32 to vector<1x8xf32>
    %gt3A_222 = arith.cmpf ogt, %broadcast_in_dim3A_71, %gt3A_221 : vector<1x8xf32>
    %convert_element_type3A_223 = arith.extui %gt3A_222 : vector<1x8xi1> to vector<1x8xi32>
    %broadcast_in_dim3A_224 = vector.shape_cast %convert_element_type3A_223 : vector<1x8xi32> to vector<1x8xi32>
    %broadcast_in_dim3A_225 = vector.broadcast %broadcast_in_dim3A_224 : vector<1x8xi32> to vector<24x8xi32>
    %lt3A_226 = vector.broadcast %min3A_219 : vector<24x1xi32> to vector<24x8xi32>
    %lt3A_227 = arith.cmpi slt, %iota3A_220, %lt3A_226 : vector<24x8xi32>
    %jit3A_228 = arith.constant 0 : i32
    %broadcast_in_dim3A_229 = vector.broadcast %jit3A_228 : i32 to vector<24x8xi32>
    %select_n3A_230 = arith.select %lt3A_227, %broadcast_in_dim3A_225, %broadcast_in_dim3A_229 : vector<24x8xi1>, vector<24x8xi32>
    %reduce_sum3A_231 = arith.constant dense<0> : vector<24xi32>
    %reduce_sum3A_232 = vector.multi_reduction <add>, %select_n3A_230, %reduce_sum3A_231 [1] : vector<24x8xi32> to vector<24xi32>
    %broadcast_in_dim3A_233 = vector.shape_cast %reduce_sum3A_232 : vector<24xi32> to vector<24x1xi32>
    %jit3A_234 = arith.constant 2 : i32
    %eq3A_235 = arith.constant 0 : i32
    %eq3A_236 = arith.cmpi eq, %jit3A_234, %eq3A_235 : i32
    %jit3A_237 = arith.constant 1 : i32
    %select_n3A_238 = arith.select %eq3A_236, %jit3A_237, %jit3A_234 : i32
    %rem3A_239 = vector.broadcast %select_n3A_238 : i32 to vector<24x1xi32>
    %rem3A_240 = arith.remsi %broadcast_in_dim3A_233, %rem3A_239 : vector<24x1xi32>
    %ne3A_241 = arith.constant 0 : i32
    %ne3A_242 = vector.broadcast %ne3A_241 : i32 to vector<24x1xi32>
    %ne3A_243 = arith.cmpi ne, %rem3A_240, %ne3A_242 : vector<24x1xi32>
    %lt3A_244 = arith.constant 0 : i32
    %lt3A_245 = vector.broadcast %lt3A_244 : i32 to vector<24x1xi32>
    %lt3A_246 = arith.cmpi slt, %rem3A_240, %lt3A_245 : vector<24x1xi32>
    %lt3A_247 = arith.constant 0 : i32
    %lt3A_248 = arith.cmpi slt, %select_n3A_238, %lt3A_247 : i32
    %ne3A_249 = vector.broadcast %lt3A_248 : i1 to vector<24x1xi1>
    %ne3A_250 = vector.broadcast %ne3A_249 : vector<24x1xi1> to vector<24x1xi1>
    %ne3A_251 = arith.xori %lt3A_246, %ne3A_250 : vector<24x1xi1>
    %and3A_252 = arith.andi %ne3A_251, %ne3A_243 : vector<24x1xi1>
    %add3A_253 = vector.broadcast %select_n3A_238 : i32 to vector<24x1xi32>
    %add3A_254 = arith.addi %rem3A_240, %add3A_253 : vector<24x1xi32>
    %select_n3A_255 = arith.select %and3A_252, %add3A_254, %rem3A_240 : vector<24x1xi1>, vector<24x1xi32>
    %broadcast_in_dim3A_256 = arith.constant -1 : i32
    %broadcast_in_dim3A_257 = vector.broadcast %broadcast_in_dim3A_256 : i32 to vector<1x1xi32>
    %slice3A_258 = vector.extract_strided_slice %min3A_219 {offsets = [0, 0], sizes = [23, 1], strides = [1, 1]} : vector<24x1xi32> to vector<23x1xi32>
    %concatenate3A = tpu.concatenate %broadcast_in_dim3A_257, %slice3A_258 in 0 : vector<1x1xi32>, vector<23x1xi32> -> vector<24x1xi32>
    %ne3A_259 = arith.cmpi ne, %min3A_219, %concatenate3A : vector<24x1xi32>
    %convert_element_type3A_260 = arith.extui %ne3A_259 : vector<24x1xi1> to vector<24x1xi32>
    %eq3A_261 = arith.constant 1 : i32
    %eq3A_262 = vector.broadcast %eq3A_261 : i32 to vector<24x8xi32>
    %eq3A_263 = arith.cmpi eq, %broadcast_in_dim3A_225, %eq3A_262 : vector<24x8xi32>
    %gt3A_264 = vector.broadcast %min3A_219 : vector<24x1xi32> to vector<24x8xi32>
    %gt3A_265 = arith.cmpi sgt, %iota3A_220, %gt3A_264 : vector<24x8xi32>
    %and3A_266 = arith.andi %eq3A_263, %gt3A_265 : vector<24x8xi1>
    %jit3A_267 = arith.constant 8 : i32
    %broadcast_in_dim3A_268 = vector.broadcast %jit3A_267 : i32 to vector<24x8xi32>
    %select_n3A_269 = arith.select %and3A_266, %iota3A_220, %broadcast_in_dim3A_268 : vector<24x8xi1>, vector<24x8xi32>
    %reduce_min3A_270 = arith.constant dense<2147483647> : vector<24xi32>
    %reduce_min3A_271 = vector.multi_reduction <minsi>, %select_n3A_269, %reduce_min3A_270 [1] : vector<24x8xi32> to vector<24xi32>
    %broadcast_in_dim3A_272 = vector.shape_cast %reduce_min3A_271 : vector<24xi32> to vector<24x1xi32>
    %broadcast_in_dim3A_273 = vector.shape_cast %select_n3A_197 : vector<1x1xi32> to vector<1x1xi32>
    %broadcast_in_dim3A_274 = vector.broadcast %broadcast_in_dim3A_273 : vector<1x1xi32> to vector<8x1xi32>
    %concatenate3A_275 = tpu.concatenate %min3A_219, %select_n3A_255, %convert_element_type3A_260, %broadcast_in_dim3A_272, %broadcast_in_dim3A_274 in 0 : vector<24x1xi32>, vector<24x1xi32>, vector<24x1xi32>, vector<24x1xi32>, vector<8x1xi32> -> vector<104x1xi32>
    %swap3A_276 = arith.constant 0 : index
    %swap3A_277 = arith.constant 0 : index
    %swap3A_278 = vector.load %arg8[%swap3A_276, %swap3A_277] : memref<104x1xi32, #tpu.memory_space<vmem>>, vector<104x1xi32>
    tpu.vector_store %arg8[%swap3A_276, %swap3A_277], %concatenate3A_275 {strides = array<i32>} : memref<104x1xi32, #tpu.memory_space<vmem>>, vector<104x1xi32>,
    return
  }
  func.func @transform_0(%arg0: i32) -> (i32, i32) {
    %c0_i32 = arith.constant 0 : i32
    %c0_i32_0 = arith.constant 0 : i32
    %c0_i32_1 = arith.constant 0 : i32
    return %c0_i32, %c0_i32_0 : i32, i32
  }
  func.func @transform_1(%arg0: i32) -> (i32, i32) {
    %c0_i32 = arith.constant 0 : i32
    %c0_i32_0 = arith.constant 0 : i32
    %c0_i32_1 = arith.constant 0 : i32
    return %c0_i32, %c0_i32_0 : i32, i32
  }
  func.func @transform_2(%arg0: i32) -> (i32, i32) {
    %c0_i32 = arith.constant 0 : i32
    %c0_i32_0 = arith.constant 0 : i32
    %c0_i32_1 = arith.constant 0 : i32
    return %c0_i32, %c0_i32_0 : i32, i32
  }
  func.func @transform_3(%arg0: i32) -> (i32, i32) {
    %c0_i32 = arith.constant 0 : i32
    %c0_i32_0 = arith.constant 0 : i32
    %c0_i32_1 = arith.constant 0 : i32
    return %c0_i32, %c0_i32_0 : i32, i32
  }
  func.func @transform_4(%arg0: i32) -> (i32, i32) {
    %c0_i32 = arith.constant 0 : i32
    %c0_i32_0 = arith.constant 0 : i32
    %c0_i32_1 = arith.constant 0 : i32
    return %c0_i32, %c0_i32_0 : i32, i32
  }
  func.func @transform_5(%arg0: i32) -> (i32, i32) {
    %c0_i32 = arith.constant 0 : i32
    %c0_i32_0 = arith.constant 0 : i32
    %c0_i32_1 = arith.constant 0 : i32
    return %c0_i32, %c0_i32_0 : i32, i32
  }
  func.func @transform_6(%arg0: i32) -> (i32, i32) {
    %c0_i32 = arith.constant 0 : i32
    %c0_i32_0 = arith.constant 0 : i32
    %c0_i32_1 = arith.constant 0 : i32
    return %c0_i32, %c0_i32_0 : i32, i32
  }
  func.func @transform_7(%arg0: i32) -> (i32, i32) {
    %c0_i32 = arith.constant 0 : i32
    %c0_i32_0 = arith.constant 0 : i32
    %c0_i32_1 = arith.constant 0 : i32
    return %c0_i32, %c0_i32_0 : i32, i32
  }
  func.func @transform_8(%arg0: i32) -> (i32, i32) {
    %c0_i32 = arith.constant 0 : i32
    %c0_i32_0 = arith.constant 0 : i32
    %c0_i32_1 = arith.constant 0 : i32
    return %c0_i32, %c0_i32_0 : i32, i32
  }
}

module attributes {stable_mosaic.version = 14 : i64} {
  func.func @_ffn_body(%arg0: i32, %arg1: memref<104xi32, #tpu.memory_space<smem>>, %arg2: memref<256x384xi32, #tpu.memory_space<vmem>>, %arg3: memref<1x1x3072xf32, #tpu.memory_space<vmem>>, %arg4: memref<1x1x768xf32, #tpu.memory_space<vmem>>, %arg5: memref<8x3072x768xf32, #tpu.memory_space<hbm>>, %arg6: memref<8x768x3072xf32, #tpu.memory_space<hbm>>, %arg7: memref<256x384xi32, #tpu.memory_space<vmem>>, %arg8: memref<2x3072x768xf32, #tpu.memory_space<vmem>>, %arg9: memref<2x768x3072xf32, #tpu.memory_space<vmem>>, %arg10: memref<2x!tpu.dma_semaphore, #tpu.memory_space<semaphore_mem>>) attributes {dimension_semantics = [#tpu.dimension_semantics<arbitrary>], iteration_bounds = array<i64: 24>, scalar_prefetch = 1 : i64, scratch_operands = 3 : i64, tpu.core_type = #tpu.core_type<tc>, window_params = [{transform_indices = @transform_0, window_bounds = array<i64: 256, 384>}, {transform_indices = @transform_1, window_bounds = array<i64: 1, 1, 3072>}, {transform_indices = @transform_2, window_bounds = array<i64: 1, 1, 768>}, {}, {}, {transform_indices = @transform_5, window_bounds = array<i64: 256, 384>}]} {
    %get3A = arith.index_cast %arg0 : i32 to index
    %get3A_0 = memref.load %arg1[%get3A] : memref<104xi32, #tpu.memory_space<smem>>
    %add3A = arith.constant 24 : i32
    %add3A_1 = arith.addi %add3A, %arg0 : i32
    %get3A_2 = arith.index_cast %add3A_1 : i32 to index
    %get3A_3 = memref.load %arg1[%get3A_2] : memref<104xi32, #tpu.memory_space<smem>>
    %add3A_4 = arith.constant 48 : i32
    %add3A_5 = arith.addi %add3A_4, %arg0 : i32
    %get3A_6 = arith.index_cast %add3A_5 : i32 to index
    %get3A_7 = memref.load %arg1[%get3A_6] : memref<104xi32, #tpu.memory_space<smem>>
    %add3A_8 = arith.constant 72 : i32
    %add3A_9 = arith.addi %add3A_8, %arg0 : i32
    %get3A_10 = arith.index_cast %add3A_9 : i32 to index
    %get3A_11 = memref.load %arg1[%get3A_10] : memref<104xi32, #tpu.memory_space<smem>>
    %get3A_12 = arith.constant 96 : index
    %get3A_13 = memref.load %arg1[%get3A_12] : memref<104xi32, #tpu.memory_space<smem>>
    %eq3A = arith.constant 0 : i32
    %eq3A_14 = arith.cmpi eq, %arg0, %eq3A : i32
    %convert_element_type3A = arith.extui %eq3A_14 : i1 to i32
    %cond3A = arith.constant 0 : i32
    %cond3A_15 = arith.cmpi ne, %convert_element_type3A, %cond3A : i32
    scf.if %cond3A_15 {
      %dma_start3A = tpu.memref_slice %arg10[%get3A_3] : memref<2x!tpu.dma_semaphore, #tpu.memory_space<semaphore_mem>> -> memref<1x!tpu.dma_semaphore, #tpu.memory_space<semaphore_mem>>
      %dma_start3A_31 = tpu.memref_squeeze %dma_start3A : memref<1x!tpu.dma_semaphore, #tpu.memory_space<semaphore_mem>> -> memref<!tpu.dma_semaphore, #tpu.memory_space<semaphore_mem>>
      %dma_start3A_32 = arith.constant 0 : i32
      %dma_start3A_33 = arith.constant 0 : i32
      %dma_start3A_34 = tpu.memref_slice %arg8[%get3A_3, %dma_start3A_32, %dma_start3A_33] : memref<2x3072x768xf32, #tpu.memory_space<vmem>> -> memref<1x3072x768xf32, #tpu.memory_space<vmem>>
      %dma_start3A_35 = tpu.memref_squeeze %dma_start3A_34 : memref<1x3072x768xf32, #tpu.memory_space<vmem>> -> memref<3072x768xf32, #tpu.memory_space<vmem>>
      %dma_start3A_36 = arith.constant 0 : i32
      %dma_start3A_37 = arith.constant 0 : i32
      %dma_start3A_38 = tpu.memref_slice %arg5[%get3A_0, %dma_start3A_36, %dma_start3A_37] : memref<8x3072x768xf32, #tpu.memory_space<hbm>> -> memref<1x3072x768xf32, #tpu.memory_space<hbm>>
      %dma_start3A_39 = tpu.memref_squeeze %dma_start3A_38 : memref<1x3072x768xf32, #tpu.memory_space<hbm>> -> memref<3072x768xf32, #tpu.memory_space<hbm>>
      tpu.enqueue_dma source(%dma_start3A_39 : memref<3072x768xf32, #tpu.memory_space<hbm>>) target(%dma_start3A_35 : memref<3072x768xf32, #tpu.memory_space<vmem>>) target_semaphore(%dma_start3A_31 : memref<!tpu.dma_semaphore, #tpu.memory_space<semaphore_mem>>)
      %dma_start3A_40 = tpu.memref_slice %arg10[%get3A_3] : memref<2x!tpu.dma_semaphore, #tpu.memory_space<semaphore_mem>> -> memref<1x!tpu.dma_semaphore, #tpu.memory_space<semaphore_mem>>
      %dma_start3A_41 = tpu.memref_squeeze %dma_start3A_40 : memref<1x!tpu.dma_semaphore, #tpu.memory_space<semaphore_mem>> -> memref<!tpu.dma_semaphore, #tpu.memory_space<semaphore_mem>>
      %dma_start3A_42 = arith.constant 0 : i32
      %dma_start3A_43 = arith.constant 0 : i32
      %dma_start3A_44 = tpu.memref_slice %arg9[%get3A_3, %dma_start3A_42, %dma_start3A_43] : memref<2x768x3072xf32, #tpu.memory_space<vmem>> -> memref<1x768x3072xf32, #tpu.memory_space<vmem>>
      %dma_start3A_45 = tpu.memref_squeeze %dma_start3A_44 : memref<1x768x3072xf32, #tpu.memory_space<vmem>> -> memref<768x3072xf32, #tpu.memory_space<vmem>>
      %dma_start3A_46 = arith.constant 0 : i32
      %dma_start3A_47 = arith.constant 0 : i32
      %dma_start3A_48 = tpu.memref_slice %arg6[%get3A_0, %dma_start3A_46, %dma_start3A_47] : memref<8x768x3072xf32, #tpu.memory_space<hbm>> -> memref<1x768x3072xf32, #tpu.memory_space<hbm>>
      %dma_start3A_49 = tpu.memref_squeeze %dma_start3A_48 : memref<1x768x3072xf32, #tpu.memory_space<hbm>> -> memref<768x3072xf32, #tpu.memory_space<hbm>>
      tpu.enqueue_dma source(%dma_start3A_49 : memref<768x3072xf32, #tpu.memory_space<hbm>>) target(%dma_start3A_45 : memref<768x3072xf32, #tpu.memory_space<vmem>>) target_semaphore(%dma_start3A_41 : memref<!tpu.dma_semaphore, #tpu.memory_space<semaphore_mem>>)
    } else {
    }
    %eq3A_16 = arith.constant 1 : i32
    %eq3A_17 = arith.cmpi eq, %get3A_7, %eq3A_16 : i32
    %convert_element_type3A_18 = arith.extui %eq3A_17 : i1 to i32
    %cond3A_19 = arith.constant 0 : i32
    %cond3A_20 = arith.cmpi ne, %convert_element_type3A_18, %cond3A_19 : i32
    scf.if %cond3A_20 {
      %dma_wait3A = tpu.memref_slice %arg10[%get3A_3] : memref<2x!tpu.dma_semaphore, #tpu.memory_space<semaphore_mem>> -> memref<1x!tpu.dma_semaphore, #tpu.memory_space<semaphore_mem>>
      %dma_wait3A_31 = tpu.memref_squeeze %dma_wait3A : memref<1x!tpu.dma_semaphore, #tpu.memory_space<semaphore_mem>> -> memref<!tpu.dma_semaphore, #tpu.memory_space<semaphore_mem>>
      %dma_wait3A_32 = arith.constant 0 : i32
      %dma_wait3A_33 = arith.constant 0 : i32
      %dma_wait3A_34 = tpu.memref_slice %arg8[%get3A_3, %dma_wait3A_32, %dma_wait3A_33] : memref<2x3072x768xf32, #tpu.memory_space<vmem>> -> memref<1x3072x768xf32, #tpu.memory_space<vmem>>
      %dma_wait3A_35 = tpu.memref_squeeze %dma_wait3A_34 : memref<1x3072x768xf32, #tpu.memory_space<vmem>> -> memref<3072x768xf32, #tpu.memory_space<vmem>>
      %dma_wait3A_36 = arith.constant 0 : i32
      %dma_wait3A_37 = arith.constant 0 : i32
      %dma_wait3A_38 = tpu.memref_slice %arg5[%get3A_0, %dma_wait3A_36, %dma_wait3A_37] : memref<8x3072x768xf32, #tpu.memory_space<hbm>> -> memref<1x3072x768xf32, #tpu.memory_space<hbm>>
      %dma_wait3A_39 = tpu.memref_squeeze %dma_wait3A_38 : memref<1x3072x768xf32, #tpu.memory_space<hbm>> -> memref<3072x768xf32, #tpu.memory_space<hbm>>
      tpu.wait_dma2 semaphore(%dma_wait3A_31 : memref<!tpu.dma_semaphore, #tpu.memory_space<semaphore_mem>>) src(%dma_wait3A_39 : memref<3072x768xf32, #tpu.memory_space<hbm>>) dst(%dma_wait3A_35 : memref<3072x768xf32, #tpu.memory_space<vmem>>)
      %dma_wait3A_40 = tpu.memref_slice %arg10[%get3A_3] : memref<2x!tpu.dma_semaphore, #tpu.memory_space<semaphore_mem>> -> memref<1x!tpu.dma_semaphore, #tpu.memory_space<semaphore_mem>>
      %dma_wait3A_41 = tpu.memref_squeeze %dma_wait3A_40 : memref<1x!tpu.dma_semaphore, #tpu.memory_space<semaphore_mem>> -> memref<!tpu.dma_semaphore, #tpu.memory_space<semaphore_mem>>
      %dma_wait3A_42 = arith.constant 0 : i32
      %dma_wait3A_43 = arith.constant 0 : i32
      %dma_wait3A_44 = tpu.memref_slice %arg9[%get3A_3, %dma_wait3A_42, %dma_wait3A_43] : memref<2x768x3072xf32, #tpu.memory_space<vmem>> -> memref<1x768x3072xf32, #tpu.memory_space<vmem>>
      %dma_wait3A_45 = tpu.memref_squeeze %dma_wait3A_44 : memref<1x768x3072xf32, #tpu.memory_space<vmem>> -> memref<768x3072xf32, #tpu.memory_space<vmem>>
      %dma_wait3A_46 = arith.constant 0 : i32
      %dma_wait3A_47 = arith.constant 0 : i32
      %dma_wait3A_48 = tpu.memref_slice %arg6[%get3A_0, %dma_wait3A_46, %dma_wait3A_47] : memref<8x768x3072xf32, #tpu.memory_space<hbm>> -> memref<1x768x3072xf32, #tpu.memory_space<hbm>>
      %dma_wait3A_49 = tpu.memref_squeeze %dma_wait3A_48 : memref<1x768x3072xf32, #tpu.memory_space<hbm>> -> memref<768x3072xf32, #tpu.memory_space<hbm>>
      tpu.wait_dma2 semaphore(%dma_wait3A_41 : memref<!tpu.dma_semaphore, #tpu.memory_space<semaphore_mem>>) src(%dma_wait3A_49 : memref<768x3072xf32, #tpu.memory_space<hbm>>) dst(%dma_wait3A_45 : memref<768x3072xf32, #tpu.memory_space<vmem>>)
    } else {
    }
    %eq3A_21 = arith.constant 1 : i32
    %eq3A_22 = arith.cmpi eq, %get3A_7, %eq3A_21 : i32
    %lt3A = arith.constant 8 : i32
    %lt3A_23 = arith.cmpi slt, %get3A_11, %lt3A : i32
    %and3A = arith.andi %eq3A_22, %lt3A_23 : i1
    %convert_element_type3A_24 = arith.extui %and3A : i1 to i32
    %cond3A_25 = arith.constant 0 : i32
    %cond3A_26 = arith.cmpi ne, %convert_element_type3A_24, %cond3A_25 : i32
    scf.if %cond3A_26 {
      %sub3A = arith.constant 1 : i32
      %sub3A_31 = arith.subi %sub3A, %get3A_3 : i32
      %sub3A_32 = arith.constant 1 : i32
      %sub3A_33 = arith.subi %sub3A_32, %get3A_3 : i32
      %dma_start3A = tpu.memref_slice %arg10[%sub3A_33] : memref<2x!tpu.dma_semaphore, #tpu.memory_space<semaphore_mem>> -> memref<1x!tpu.dma_semaphore, #tpu.memory_space<semaphore_mem>>
      %dma_start3A_34 = tpu.memref_squeeze %dma_start3A : memref<1x!tpu.dma_semaphore, #tpu.memory_space<semaphore_mem>> -> memref<!tpu.dma_semaphore, #tpu.memory_space<semaphore_mem>>
      %dma_start3A_35 = arith.constant 0 : i32
      %dma_start3A_36 = arith.constant 0 : i32
      %dma_start3A_37 = tpu.memref_slice %arg8[%sub3A_31, %dma_start3A_35, %dma_start3A_36] : memref<2x3072x768xf32, #tpu.memory_space<vmem>> -> memref<1x3072x768xf32, #tpu.memory_space<vmem>>
      %dma_start3A_38 = tpu.memref_squeeze %dma_start3A_37 : memref<1x3072x768xf32, #tpu.memory_space<vmem>> -> memref<3072x768xf32, #tpu.memory_space<vmem>>
      %dma_start3A_39 = arith.constant 0 : i32
      %dma_start3A_40 = arith.constant 0 : i32
      %dma_start3A_41 = tpu.memref_slice %arg5[%get3A_11, %dma_start3A_39, %dma_start3A_40] : memref<8x3072x768xf32, #tpu.memory_space<hbm>> -> memref<1x3072x768xf32, #tpu.memory_space<hbm>>
      %dma_start3A_42 = tpu.memref_squeeze %dma_start3A_41 : memref<1x3072x768xf32, #tpu.memory_space<hbm>> -> memref<3072x768xf32, #tpu.memory_space<hbm>>
      tpu.enqueue_dma source(%dma_start3A_42 : memref<3072x768xf32, #tpu.memory_space<hbm>>) target(%dma_start3A_38 : memref<3072x768xf32, #tpu.memory_space<vmem>>) target_semaphore(%dma_start3A_34 : memref<!tpu.dma_semaphore, #tpu.memory_space<semaphore_mem>>)
      %sub3A_43 = arith.constant 1 : i32
      %sub3A_44 = arith.subi %sub3A_43, %get3A_3 : i32
      %sub3A_45 = arith.constant 1 : i32
      %sub3A_46 = arith.subi %sub3A_45, %get3A_3 : i32
      %dma_start3A_47 = tpu.memref_slice %arg10[%sub3A_46] : memref<2x!tpu.dma_semaphore, #tpu.memory_space<semaphore_mem>> -> memref<1x!tpu.dma_semaphore, #tpu.memory_space<semaphore_mem>>
      %dma_start3A_48 = tpu.memref_squeeze %dma_start3A_47 : memref<1x!tpu.dma_semaphore, #tpu.memory_space<semaphore_mem>> -> memref<!tpu.dma_semaphore, #tpu.memory_space<semaphore_mem>>
      %dma_start3A_49 = arith.constant 0 : i32
      %dma_start3A_50 = arith.constant 0 : i32
      %dma_start3A_51 = tpu.memref_slice %arg9[%sub3A_44, %dma_start3A_49, %dma_start3A_50] : memref<2x768x3072xf32, #tpu.memory_space<vmem>> -> memref<1x768x3072xf32, #tpu.memory_space<vmem>>
      %dma_start3A_52 = tpu.memref_squeeze %dma_start3A_51 : memref<1x768x3072xf32, #tpu.memory_space<vmem>> -> memref<768x3072xf32, #tpu.memory_space<vmem>>
      %dma_start3A_53 = arith.constant 0 : i32
      %dma_start3A_54 = arith.constant 0 : i32
      %dma_start3A_55 = tpu.memref_slice %arg6[%get3A_11, %dma_start3A_53, %dma_start3A_54] : memref<8x768x3072xf32, #tpu.memory_space<hbm>> -> memref<1x768x3072xf32, #tpu.memory_space<hbm>>
      %dma_start3A_56 = tpu.memref_squeeze %dma_start3A_55 : memref<1x768x3072xf32, #tpu.memory_space<hbm>> -> memref<768x3072xf32, #tpu.memory_space<hbm>>
      tpu.enqueue_dma source(%dma_start3A_56 : memref<768x3072xf32, #tpu.memory_space<hbm>>) target(%dma_start3A_52 : memref<768x3072xf32, #tpu.memory_space<vmem>>) target_semaphore(%dma_start3A_48 : memref<!tpu.dma_semaphore, #tpu.memory_space<semaphore_mem>>)
    } else {
    }
    %lt3A_27 = arith.cmpi slt, %arg0, %get3A_13 : i32
    %convert_element_type3A_28 = arith.extui %lt3A_27 : i1 to i32
    %cond3A_29 = arith.constant 0 : i32
    %cond3A_30 = arith.cmpi ne, %convert_element_type3A_28, %cond3A_29 : i32
    scf.if %cond3A_30 {
      %get3A_31 = arith.constant 0 : index
      %get3A_32 = arith.constant 0 : index
      %get3A_33 = vector.load %arg2[%get3A_31, %get3A_32] : memref<256x384xi32, #tpu.memory_space<vmem>>, vector<256x384xi32>
      %shift_left3A = arith.constant 16 : i32
      %shift_left3A_34 = vector.broadcast %shift_left3A : i32 to vector<256x384xi32>
      %shift_left3A_35 = arith.shli %get3A_33, %shift_left3A_34 : vector<256x384xi32>
      %bitcast_convert_type3A = tpu.bitcast %shift_left3A_35 : vector<256x384xi32> -> vector<256x384xf32>
      %and3A_36 = arith.constant -65536 : i32
      %and3A_37 = vector.broadcast %and3A_36 : i32 to vector<256x384xi32>
      %and3A_38 = arith.andi %get3A_33, %and3A_37 : vector<256x384xi32>
      %bitcast_convert_type3A_39 = tpu.bitcast %and3A_38 : vector<256x384xi32> -> vector<256x384xf32>
      %concatenate3A = tpu.concatenate %bitcast_convert_type3A, %bitcast_convert_type3A_39 in 1 : vector<256x384xf32>, vector<256x384xf32> -> vector<256x768xf32>
      %convert_element_type3A_40 = arith.truncf %concatenate3A : vector<256x768xf32> to vector<256x768xbf16>
      %get3A_41 = arith.index_cast %get3A_3 : i32 to index
      %get3A_42 = arith.constant 0 : index
      %get3A_43 = arith.constant 0 : index
      %get3A_44 = vector.load %arg8[%get3A_41, %get3A_42, %get3A_43] : memref<2x3072x768xf32, #tpu.memory_space<vmem>>, vector<1x3072x768xf32>
      %get3A_45 = vector.shape_cast %get3A_44 : vector<1x3072x768xf32> to vector<3072x768xf32>
      %convert_element_type3A_46 = arith.truncf %get3A_45 : vector<3072x768xf32> to vector<3072x768xbf16>
      %dot_general3A = arith.constant dense<0.000000e+00> : vector<256x3072xf32>
      %dot_general3A_47 = tpu.matmul %convert_element_type3A_40, %convert_element_type3A_46, %dot_general3A {dimension_numbers = #tpu.dot_dimension_numbers<[1], [1], [0], [0], [0, 0, 1, 0], [], []>, transpose_lhs_hint = false} : vector<256x768xbf16>, vector<3072x768xbf16>, vector<256x3072xf32> -> vector<256x3072xf32>
      %get3A_48 = arith.constant 0 : index
      %get3A_49 = arith.constant 0 : index
      %get3A_50 = arith.constant 0 : index
      %get3A_51 = vector.load %arg3[%get3A_48, %get3A_49, %get3A_50] : memref<1x1x3072xf32, #tpu.memory_space<vmem>>, vector<1x1x3072xf32>
      %get3A_52 = vector.shape_cast %get3A_51 : vector<1x1x3072xf32> to vector<1x3072xf32>
      %add3A_53 = vector.broadcast %get3A_52 : vector<1x3072xf32> to vector<256x3072xf32>
      %add3A_54 = arith.addf %dot_general3A_47, %add3A_53 : vector<256x3072xf32>
      %mul3A = arith.constant 5.000000e-01 : f32
      %mul3A_55 = vector.broadcast %mul3A : f32 to vector<256x3072xf32>
      %mul3A_56 = arith.mulf %mul3A_55, %add3A_54 : vector<256x3072xf32>
      %mul3A_57 = arith.constant 0.707106769 : f32
      %mul3A_58 = vector.broadcast %mul3A_57 : f32 to vector<256x3072xf32>
      %mul3A_59 = arith.mulf %add3A_54, %mul3A_58 : vector<256x3072xf32>
      %erf3A = math.erf %mul3A_59 : vector<256x3072xf32>
      %add3A_60 = arith.constant 1.000000e+00 : f32
      %add3A_61 = vector.broadcast %add3A_60 : f32 to vector<256x3072xf32>
      %add3A_62 = arith.addf %add3A_61, %erf3A : vector<256x3072xf32>
      %mul3A_63 = arith.mulf %mul3A_56, %add3A_62 : vector<256x3072xf32>
      %convert_element_type3A_64 = arith.truncf %mul3A_63 : vector<256x3072xf32> to vector<256x3072xbf16>
      %get3A_65 = arith.index_cast %get3A_3 : i32 to index
      %get3A_66 = arith.constant 0 : index
      %get3A_67 = arith.constant 0 : index
      %get3A_68 = vector.load %arg9[%get3A_65, %get3A_66, %get3A_67] : memref<2x768x3072xf32, #tpu.memory_space<vmem>>, vector<1x768x3072xf32>
      %get3A_69 = vector.shape_cast %get3A_68 : vector<1x768x3072xf32> to vector<768x3072xf32>
      %convert_element_type3A_70 = arith.truncf %get3A_69 : vector<768x3072xf32> to vector<768x3072xbf16>
      %dot_general3A_71 = arith.constant dense<0.000000e+00> : vector<256x768xf32>
      %dot_general3A_72 = tpu.matmul %convert_element_type3A_64, %convert_element_type3A_70, %dot_general3A_71 {dimension_numbers = #tpu.dot_dimension_numbers<[1], [1], [0], [0], [0, 0, 1, 0], [], []>, transpose_lhs_hint = false} : vector<256x3072xbf16>, vector<768x3072xbf16>, vector<256x768xf32> -> vector<256x768xf32>
      %get3A_73 = arith.constant 0 : index
      %get3A_74 = arith.constant 0 : index
      %get3A_75 = arith.constant 0 : index
      %get3A_76 = vector.load %arg4[%get3A_73, %get3A_74, %get3A_75] : memref<1x1x768xf32, #tpu.memory_space<vmem>>, vector<1x1x768xf32>
      %get3A_77 = vector.shape_cast %get3A_76 : vector<1x1x768xf32> to vector<1x768xf32>
      %add3A_78 = vector.broadcast %get3A_77 : vector<1x768xf32> to vector<256x768xf32>
      %add3A_79 = arith.addf %dot_general3A_72, %add3A_78 : vector<256x768xf32>
      %convert_element_type3A_80 = arith.truncf %add3A_79 : vector<256x768xf32> to vector<256x768xbf16>
      %convert_element_type3A_81 = arith.extf %convert_element_type3A_80 : vector<256x768xbf16> to vector<256x768xf32>
      %bitcast_convert_type3A_82 = tpu.bitcast %convert_element_type3A_81 : vector<256x768xf32> -> vector<256x768xi32>
      %slice3A = vector.extract_strided_slice %bitcast_convert_type3A_82 {offsets = [0, 0], sizes = [256, 384], strides = [1, 1]} : vector<256x768xi32> to vector<256x384xi32>
      %slice3A_83 = vector.extract_strided_slice %bitcast_convert_type3A_82 {offsets = [0, 384], sizes = [256, 384], strides = [1, 1]} : vector<256x768xi32> to vector<256x384xi32>
      %shift_right_logical3A = arith.constant 16 : i32
      %shift_right_logical3A_84 = vector.broadcast %shift_right_logical3A : i32 to vector<256x384xi32>
      %shift_right_logical3A_85 = arith.shrui %slice3A, %shift_right_logical3A_84 : vector<256x384xi32>
      %and3A_86 = arith.constant -65536 : i32
      %and3A_87 = vector.broadcast %and3A_86 : i32 to vector<256x384xi32>
      %and3A_88 = arith.andi %slice3A_83, %and3A_87 : vector<256x384xi32>
      %or3A = arith.ori %shift_right_logical3A_85, %and3A_88 : vector<256x384xi32>
      %swap3A = arith.constant 0 : index
      %swap3A_89 = arith.constant 0 : index
      %swap3A_90 = vector.load %arg7[%swap3A, %swap3A_89] : memref<256x384xi32, #tpu.memory_space<vmem>>, vector<256x384xi32>
      tpu.vector_store %arg7[%swap3A, %swap3A_89], %or3A {strides = array<i32>} : memref<256x384xi32, #tpu.memory_space<vmem>>, vector<256x384xi32>,
    } else {
    }
    return
  }
  func.func @transform_0(%arg0: i32, %arg1: memref<104xi32, #tpu.memory_space<smem>>) -> (i32, i32) {
    %c0_i32 = arith.constant 0 : i32
    %c0_i32_0 = arith.constant 0 : i32
    return %arg0, %c0_i32 : i32, i32
  }
  func.func @transform_1(%arg0: i32, %arg1: memref<104xi32, #tpu.memory_space<smem>>) -> (i32, i32, i32) {
    %get3A = arith.index_cast %arg0 : i32 to index
    %get3A_0 = memref.load %arg1[%get3A] : memref<104xi32, #tpu.memory_space<smem>>
    %c0_i32 = arith.constant 0 : i32
    %c0_i32_1 = arith.constant 0 : i32
    %c0_i32_2 = arith.constant 0 : i32
    return %get3A_0, %c0_i32, %c0_i32_1 : i32, i32, i32
  }
  func.func @transform_2(%arg0: i32, %arg1: memref<104xi32, #tpu.memory_space<smem>>) -> (i32, i32, i32) {
    %get3A = arith.index_cast %arg0 : i32 to index
    %get3A_0 = memref.load %arg1[%get3A] : memref<104xi32, #tpu.memory_space<smem>>
    %c0_i32 = arith.constant 0 : i32
    %c0_i32_1 = arith.constant 0 : i32
    %c0_i32_2 = arith.constant 0 : i32
    return %get3A_0, %c0_i32, %c0_i32_1 : i32, i32, i32
  }
  func.func @transform_5(%arg0: i32, %arg1: memref<104xi32, #tpu.memory_space<smem>>) -> (i32, i32) {
    %c0_i32 = arith.constant 0 : i32
    %c0_i32_0 = arith.constant 0 : i32
    return %arg0, %c0_i32 : i32, i32
  }
}

module attributes {stable_mosaic.version = 14 : i64} {
  func.func @_combine_body(%arg0: i32, %arg1: memref<256x768xf32, #tpu.memory_space<vmem>>, %arg2: memref<256x384xi32, #tpu.memory_space<vmem>>, %arg3: memref<256x384xi32, #tpu.memory_space<vmem>>, %arg4: memref<256x1xf32, #tpu.memory_space<vmem>>, %arg5: memref<256x1xf32, #tpu.memory_space<vmem>>, %arg6: memref<1x768xf32, #tpu.memory_space<vmem>>, %arg7: memref<1x768xf32, #tpu.memory_space<vmem>>, %arg8: memref<256x768xf32, #tpu.memory_space<vmem>>) attributes {dimension_semantics = [#tpu.dimension_semantics<arbitrary>], iteration_bounds = array<i64: 8>, scalar_prefetch = 0 : i64, scratch_operands = 0 : i64, tpu.core_type = #tpu.core_type<tc>, window_params = [{transform_indices = @transform_0, window_bounds = array<i64: 256, 768>}, {transform_indices = @transform_1, window_bounds = array<i64: 256, 384>}, {transform_indices = @transform_2, window_bounds = array<i64: 256, 384>}, {transform_indices = @transform_3, window_bounds = array<i64: 256, 1>}, {transform_indices = @transform_4, window_bounds = array<i64: 256, 1>}, {pipeline_mode = #tpu.pipeline_mode<synchronous>, transform_indices = @transform_5, window_bounds = array<i64: 1, 768>}, {pipeline_mode = #tpu.pipeline_mode<synchronous>, transform_indices = @transform_6, window_bounds = array<i64: 1, 768>}, {transform_indices = @transform_7, window_bounds = array<i64: 256, 768>}]} {
    %get3A = arith.constant 0 : index
    %get3A_0 = arith.constant 0 : index
    %get3A_1 = vector.load %arg2[%get3A, %get3A_0] : memref<256x384xi32, #tpu.memory_space<vmem>>, vector<256x384xi32>
    %shift_left3A = arith.constant 16 : i32
    %shift_left3A_2 = vector.broadcast %shift_left3A : i32 to vector<256x384xi32>
    %shift_left3A_3 = arith.shli %get3A_1, %shift_left3A_2 : vector<256x384xi32>
    %bitcast_convert_type3A = tpu.bitcast %shift_left3A_3 : vector<256x384xi32> -> vector<256x384xf32>
    %and3A = arith.constant -65536 : i32
    %and3A_4 = vector.broadcast %and3A : i32 to vector<256x384xi32>
    %and3A_5 = arith.andi %get3A_1, %and3A_4 : vector<256x384xi32>
    %bitcast_convert_type3A_6 = tpu.bitcast %and3A_5 : vector<256x384xi32> -> vector<256x384xf32>
    %concatenate3A = tpu.concatenate %bitcast_convert_type3A, %bitcast_convert_type3A_6 in 1 : vector<256x384xf32>, vector<256x384xf32> -> vector<256x768xf32>
    %get3A_7 = arith.constant 0 : index
    %get3A_8 = arith.constant 0 : index
    %get3A_9 = vector.load %arg3[%get3A_7, %get3A_8] : memref<256x384xi32, #tpu.memory_space<vmem>>, vector<256x384xi32>
    %shift_left3A_10 = arith.constant 16 : i32
    %shift_left3A_11 = vector.broadcast %shift_left3A_10 : i32 to vector<256x384xi32>
    %shift_left3A_12 = arith.shli %get3A_9, %shift_left3A_11 : vector<256x384xi32>
    %bitcast_convert_type3A_13 = tpu.bitcast %shift_left3A_12 : vector<256x384xi32> -> vector<256x384xf32>
    %and3A_14 = arith.constant -65536 : i32
    %and3A_15 = vector.broadcast %and3A_14 : i32 to vector<256x384xi32>
    %and3A_16 = arith.andi %get3A_9, %and3A_15 : vector<256x384xi32>
    %bitcast_convert_type3A_17 = tpu.bitcast %and3A_16 : vector<256x384xi32> -> vector<256x384xf32>
    %concatenate3A_18 = tpu.concatenate %bitcast_convert_type3A_13, %bitcast_convert_type3A_17 in 1 : vector<256x384xf32>, vector<256x384xf32> -> vector<256x768xf32>
    %get3A_19 = arith.constant 0 : index
    %get3A_20 = arith.constant 0 : index
    %get3A_21 = vector.load %arg1[%get3A_19, %get3A_20] : memref<256x768xf32, #tpu.memory_space<vmem>>, vector<256x768xf32>
    %get3A_22 = arith.constant 0 : index
    %get3A_23 = arith.constant 0 : index
    %get3A_24 = vector.load %arg4[%get3A_22, %get3A_23] : memref<256x1xf32, #tpu.memory_space<vmem>>, vector<256x1xf32>
    %mul3A = vector.broadcast %get3A_24 : vector<256x1xf32> to vector<256x768xf32>
    %mul3A_25 = arith.mulf %mul3A, %concatenate3A : vector<256x768xf32>
    %add3A = arith.addf %get3A_21, %mul3A_25 : vector<256x768xf32>
    %get3A_26 = arith.constant 0 : index
    %get3A_27 = arith.constant 0 : index
    %get3A_28 = vector.load %arg5[%get3A_26, %get3A_27] : memref<256x1xf32, #tpu.memory_space<vmem>>, vector<256x1xf32>
    %mul3A_29 = vector.broadcast %get3A_28 : vector<256x1xf32> to vector<256x768xf32>
    %mul3A_30 = arith.mulf %mul3A_29, %concatenate3A_18 : vector<256x768xf32>
    %add3A_31 = arith.addf %add3A, %mul3A_30 : vector<256x768xf32>
    %reduce_sum3A = arith.constant dense<0.000000e+00> : vector<256xf32>
    %reduce_sum3A_32 = vector.multi_reduction <add>, %add3A_31, %reduce_sum3A [1] : vector<256x768xf32> to vector<256xf32>
    %broadcast_in_dim3A = vector.shape_cast %reduce_sum3A_32 : vector<256xf32> to vector<256x1xf32>
    %div3A = arith.constant 7.680000e+02 : f32
    %div3A_33 = vector.broadcast %div3A : f32 to vector<256x1xf32>
    %div3A_34 = arith.divf %broadcast_in_dim3A, %div3A_33 : vector<256x1xf32>
    %sub3A = vector.broadcast %div3A_34 : vector<256x1xf32> to vector<256x768xf32>
    %sub3A_35 = arith.subf %add3A_31, %sub3A : vector<256x768xf32>
    %integer_pow3A = arith.mulf %sub3A_35, %sub3A_35 : vector<256x768xf32>
    %reduce_sum3A_36 = arith.constant dense<0.000000e+00> : vector<256xf32>
    %reduce_sum3A_37 = vector.multi_reduction <add>, %integer_pow3A, %reduce_sum3A_36 [1] : vector<256x768xf32> to vector<256xf32>
    %broadcast_in_dim3A_38 = vector.shape_cast %reduce_sum3A_37 : vector<256xf32> to vector<256x1xf32>
    %div3A_39 = arith.constant 7.680000e+02 : f32
    %div3A_40 = vector.broadcast %div3A_39 : f32 to vector<256x1xf32>
    %div3A_41 = arith.divf %broadcast_in_dim3A_38, %div3A_40 : vector<256x1xf32>
    %sub3A_42 = vector.broadcast %div3A_34 : vector<256x1xf32> to vector<256x768xf32>
    %sub3A_43 = arith.subf %add3A_31, %sub3A_42 : vector<256x768xf32>
    %add3A_44 = arith.constant 9.99999996E-13 : f32
    %add3A_45 = vector.broadcast %add3A_44 : f32 to vector<256x1xf32>
    %add3A_46 = arith.addf %div3A_41, %add3A_45 : vector<256x1xf32>
    %rsqrt3A = math.rsqrt %add3A_46 : vector<256x1xf32>
    %mul3A_47 = vector.broadcast %rsqrt3A : vector<256x1xf32> to vector<256x768xf32>
    %mul3A_48 = arith.mulf %sub3A_43, %mul3A_47 : vector<256x768xf32>
    %get3A_49 = arith.constant 0 : index
    %get3A_50 = arith.constant 0 : index
    %get3A_51 = vector.load %arg6[%get3A_49, %get3A_50] : memref<1x768xf32, #tpu.memory_space<vmem>>, vector<1x768xf32>
    %mul3A_52 = vector.broadcast %get3A_51 : vector<1x768xf32> to vector<256x768xf32>
    %mul3A_53 = arith.mulf %mul3A_48, %mul3A_52 : vector<256x768xf32>
    %get3A_54 = arith.constant 0 : index
    %get3A_55 = arith.constant 0 : index
    %get3A_56 = vector.load %arg7[%get3A_54, %get3A_55] : memref<1x768xf32, #tpu.memory_space<vmem>>, vector<1x768xf32>
    %add3A_57 = vector.broadcast %get3A_56 : vector<1x768xf32> to vector<256x768xf32>
    %add3A_58 = arith.addf %mul3A_53, %add3A_57 : vector<256x768xf32>
    %swap3A = arith.constant 0 : index
    %swap3A_59 = arith.constant 0 : index
    %swap3A_60 = vector.load %arg8[%swap3A, %swap3A_59] : memref<256x768xf32, #tpu.memory_space<vmem>>, vector<256x768xf32>
    tpu.vector_store %arg8[%swap3A, %swap3A_59], %add3A_58 {strides = array<i32>} : memref<256x768xf32, #tpu.memory_space<vmem>>, vector<256x768xf32>,
    return
  }
  func.func @transform_0(%arg0: i32) -> (i32, i32) {
    %c0_i32 = arith.constant 0 : i32
    %c0_i32_0 = arith.constant 0 : i32
    return %arg0, %c0_i32 : i32, i32
  }
  func.func @transform_1(%arg0: i32) -> (i32, i32) {
    %c0_i32 = arith.constant 0 : i32
    %c0_i32_0 = arith.constant 0 : i32
    return %arg0, %c0_i32 : i32, i32
  }
  func.func @transform_2(%arg0: i32) -> (i32, i32) {
    %c0_i32 = arith.constant 0 : i32
    %c0_i32_0 = arith.constant 0 : i32
    return %arg0, %c0_i32 : i32, i32
  }
  func.func @transform_3(%arg0: i32) -> (i32, i32) {
    %c0_i32 = arith.constant 0 : i32
    %c0_i32_0 = arith.constant 0 : i32
    return %arg0, %c0_i32 : i32, i32
  }
  func.func @transform_4(%arg0: i32) -> (i32, i32) {
    %c0_i32 = arith.constant 0 : i32
    %c0_i32_0 = arith.constant 0 : i32
    return %arg0, %c0_i32 : i32, i32
  }
  func.func @transform_5(%arg0: i32) -> (i32, i32) {
    %c0_i32 = arith.constant 0 : i32
    %c0_i32_0 = arith.constant 0 : i32
    %c0_i32_1 = arith.constant 0 : i32
    return %c0_i32, %c0_i32_0 : i32, i32
  }
  func.func @transform_6(%arg0: i32) -> (i32, i32) {
    %c0_i32 = arith.constant 0 : i32
    %c0_i32_0 = arith.constant 0 : i32
    %c0_i32_1 = arith.constant 0 : i32
    return %c0_i32, %c0_i32_0 : i32, i32
  }
  func.func @transform_7(%arg0: i32) -> (i32, i32) {
    %c0_i32 = arith.constant 0 : i32
    %c0_i32_0 = arith.constant 0 : i32
    return %arg0, %c0_i32 : i32, i32
  }
}

</mosaic_0001>

<sc_bundles>
// kernel: kernel.10.cloned.1.call-start
scs
__scs_entry_jumppad:
0x0: {  	(pc) =	sbr.rel $0x88, $3  }
0x1: {  	(tag) =	ssettag $0x0;
	lr =	simm.s32 $0x1  }
0x2: {  	[smem:$0x3F98] =	sst lr;
	_ =	strace $0xD0000000  }
0x3: {  	_ = 	snop  }
0x4: {  	_ = 	snop  }
0x5: {  	_ = 	snop  }
0x6: {  	_ = 	snop  }
0x7: {  	_ = 	snop  }
__scs_overlays_trampoline_lowered:
0x8: {  	[smem:$0x3FA7] =	sst s0  }
0x9: {  	[smem:$0x3FA8] =	sst s1  }
0xa: {  	[smem:$0x3FA9] =	sst s2  }
0xb: {  	[smem:$0x3FAA] =	sst s3  }
0xc: {  	[smem:$0x3FAB] =	sst s4  }
0xd: {  	[smem:$0x3FAC] =	sst s5  }
0xe: {  	[smem:$0x3FAD] =	sst s6  }
0xf: {  	[smem:$0x3FAE] =	sst s7  }
0x10: {  	[smem:$0x3FAF] =	sst s8  }
0x11: {  	[smem:$0x3FB0] =	sst s9;
	s0 =	simm.s32 @!p0 $0x0  }
0x12: {  	s1 =	sld [smem:$0x3F96];
	s0 =	simm.s32 @p0 $0x1  }
0x13: {  	[smem:$0x3FB1] =	sst s0;
	s0 =	simm.s32 @!p1 $0x0  }
0x14: {  	s2 =	sld [smem:$0x3F95];
	s0 =	simm.s32 @p1 $0x1  }
0x15: {  	[smem:$0x3FB2] =	sst s0;
	s0 =	simm.s32 @!p2 $0x0  }
0x16: {  	s3 =	sld [smem:$0x3FDB];
	s0 =	simm.s32 @p2 $0x1  }
0x17: {  	s4 =	simm.s32 $0x1BF5;
	[smem:$0x3FB4] =	sst s0  }
0x18: {  	s0 =	sld [smem:$0x3F97];
	_ =	swait.ge [sflag:s4], $0x0  }
0x19: {  	s7 =	sld [smem:$0x3F98]  }
0x1a: {  	s8 =	sadd.s32 $0xFFFFE003, lr  }
0x1b: {  	s9 =	sadd.s32 $0xFFFFFEF7, lr;
	s5 =	simm.s32 $0xFFFFFFFF;
	p2 =	slt.u32 s8, $0xFFFFF086  }
0x1c: {  	p1 =	slt.u32 s9, $0xF7A;
	s5 =	simm.s32 @!p2 $0x0  }
0x1d: {  	s5 =	simm.s32 @p1 $0x1;
	p0 =	seq.s32 s7, s2  }
0x1e: {  	s7 =	smul.u32 @!p0 $0xF7A, s2;
	p2 =	seq.s32 @!p0 s5, $0x0  }
0x1f: {  	s9 =	smul.u32 $0xF7A, s1;
	s8 =	simm.s32 @!p0 $0x1BF5;
	p2 =	por !p2, p0  }
0x20: {  	[sflag:s8] =	ssyncset.s32 @!p0 $0xFFFFF086;
	s6 =	sadd.s32 @!p0 s3, s7;
	s7 =	simm.s32 @!p0 $0x108  }
0x21: {  	s3 =	sadd.s32 s3, s9;
	s6 =	sadd.s32 @!p0 $0x88, s6;
	s7 =	simm.s32 @p2 $0x1082  }
0x22: {  	[simem:s7], [sflag:s8] =	dma.local @!p0 [hbm:s6], $0xF7A  }
0x23: {  	s9 =	sor.u32 $0xD0000000, s2;
	s6 =	simm.s32 $0x108;
	_ =	swait.ge @!p0 [sflag:s8], $0x0  }
0x24: {  	s3 =	sadd.s32 $0x88, s3;
	s6 =	simm.s32 @!p1 $0x1082;
	[sflag:s4] =	ssyncset.s32 $0xFFFFF086  }
0x25: {  	[simem:s6], [sflag:s4] =	dma.local [hbm:s3], $0xF7A  }
0x26: {  	[smem:$0x3F98] =	sst s1;
	(tag) =	ssettag s2;
	_ =	strace s9  }
0x27: {  	s1 =	sld [smem:$0x3FA8]  }
0x28: {  	s2 =	sld [smem:$0x3FA9]  }
0x29: {  	s4 =	sld [smem:$0x3FAB]  }
0x2a: {  	p0 =	seq.s32 s5, $0x0;
	s5 =	sld [smem:$0x3FAC]  }
0x2b: {  	s6 =	sld [smem:$0x3FAD]  }
0x2c: {  	s7 =	sld [smem:$0x3FAE]  }
0x2d: {  	s3 =	simm.s32 $0x108;
	s8 =	sld [smem:$0x3FAF]  }
0x2e: {  	s3 =	simm.s32 @!p0 $0x1082;
	s9 =	sld [smem:$0x3FB0]  }
0x2f: {  	lr =	sadd.s32 s0, s3;
	s0 =	sld [smem:$0x3FA7]  }
0x30: {  	s3 =	sld [smem:$0x3FAA]  }
0x31: {  	[smem:$0x3FB3] =	sst s10  }
0x32: {  	s10 =	sld [smem:$0x3FB1];
	_ =	sdelay $0x3  }
0x33: {  	p0 =	seq.s32 s10, $0x1;
	s10 =	sld [smem:$0x3FB3];
	_ =	sdelay $0x3  }
0x34: {  	[smem:$0x3FB3] =	sst s10  }
0x35: {  	s10 =	sld [smem:$0x3FB2];
	_ =	sdelay $0x3  }
0x36: {  	p1 =	seq.s32 s10, $0x1;
	s10 =	sld [smem:$0x3FB3];
	_ =	sdelay $0x3  }
0x37: {  	[smem:$0x3FB3] =	sst s10  }
0x38: {  	s10 =	sld [smem:$0x3FB4]  }
0x39: {  	_ = 	snop;
	(pc) =	sbr.ind lr, $3  }
0x3a: {  	_ = 	snop  }
0x3b: {  	_ = 	snop  }
0x3c: {  	p2 =	seq.s32 s10, $0x1;
	s10 =	sld [smem:$0x3FB3]  }
0x3d: {  	_ =	shalt  }
0x3e: {  	_ =	shalt  }
0x3f: {  	_ =	shalt  }
0x40: {  	_ =	shalt  }
0x41: {  	_ =	shalt  }
0x42: {  	_ =	shalt  }
0x43: {  	_ =	shalt  }
0x44: {  	_ =	shalt  }
0x45: {  	_ =	shalt  }
0x46: {  	_ =	shalt  }
0x47: {  	_ =	shalt  }
0x48: {  	_ =	shalt  }
0x49: {  	_ =	shalt  }
0x4a: {  	_ =	shalt  }
0x4b: {  	_ =	shalt  }
0x4c: {  	_ =	shalt  }
0x4d: {  	_ =	shalt  }
0x4e: {  	_ =	shalt  }
0x4f: {  	_ =	shalt  }
0x50: {  	_ =	shalt  }
0x51: {  	_ =	shalt  }
0x52: {  	_ =	shalt  }
0x53: {  	_ =	shalt  }
0x54: {  	_ =	shalt  }
0x55: {  	_ =	shalt  }
0x56: {  	_ =	shalt  }
0x57: {  	_ =	shalt  }
0x58: {  	_ =	shalt  }
0x59: {  	_ =	shalt  }
0x5a: {  	_ =	shalt  }
0x5b: {  	_ =	shalt  }
0x5c: {  	_ =	shalt  }
0x5d: {  	_ =	shalt  }
0x5e: {  	_ =	shalt  }
0x5f: {  	_ =	shalt  }
0x60: {  	_ =	shalt  }
0x61: {  	_ =	shalt  }
0x62: {  	_ =	shalt  }
0x63: {  	_ =	shalt  }
0x64: {  	_ =	shalt  }
0x65: {  	_ =	shalt  }
0x66: {  	_ =	shalt  }
0x67: {  	_ =	shalt  }
0x68: {  	_ =	shalt  }
0x69: {  	_ =	shalt  }
0x6a: {  	_ =	shalt  }
0x6b: {  	_ =	shalt  }
0x6c: {  	_ =	shalt  }
0x6d: {  	_ =	shalt  }
0x6e: {  	_ =	shalt  }
0x6f: {  	_ =	shalt  }
0x70: {  	_ =	shalt  }
0x71: {  	_ =	shalt  }
0x72: {  	_ =	shalt  }
0x73: {  	_ =	shalt  }
0x74: {  	_ =	shalt  }
0x75: {  	_ =	shalt  }
0x76: {  	_ =	shalt  }
0x77: {  	_ =	shalt  }
0x78: {  	_ =	shalt  }
0x79: {  	_ =	shalt  }
0x7a: {  	_ =	shalt  }
0x7b: {  	_ =	shalt  }
0x7c: {  	_ =	shalt  }
0x7d: {  	_ =	shalt  }
0x7e: {  	_ =	shalt  }
0x7f: {  	_ =	shalt  }
0x80: {  	_ =	shalt  }
0x81: {  	_ =	shalt  }
0x82: {  	_ =	shalt  }
0x83: {  	_ =	shalt  }
0x84: {  	_ =	shalt  }
0x85: {  	_ =	shalt  }
0x86: {  	_ =	shalt  }
0x87: {  	_ =	shalt  }
.Lfunc_end0:
.L_simem_size_0:
called_computation.1_lowered:
.L_overlay_start_0:
0x88: {  	s2 =	sld [smem:$0x3FD9]  }
0x89: {  	s3 =	sld [smem:$0x3FFE];
	_ =	sdelay $0x1  }
0x8a: {  	s1 =	srdreg.scid  }
0x8b: {  	s0 =	sand.u32 $0x1, s1  }
0x8c: {  	s17 =	sshll.u32 s0, $0xA;
	s2 =	sadd.s32 s3, s2  }
0x8d: {  	s2 =	sadd.s32 s2, s17  }
0x8e: {  	[smem:$0x3FBF] =	sst s2  }
0x8f: {  	_ = 	snop  }
0x90: {  	s2 =	sld [smem:$0x3FD0];
	(tm) =	ssettm $0x1  }
0x91: {  	s18 =	sld [smem:$0x3FFB];
	_ =	sdelay $0x3  }
0x92: {  	_ =	strace s18  }
0x93: {  	s3 =	sld [smem:$0x3FFC];
	_ =	sdelay $0x3  }
0x94: {  	_ =	strace s3  }
0x95: {  	s3 =	sld [smem:$0x3FFD];
	_ =	sdelay $0x3  }
0x96: {  	_ =	strace s3  }
0x97: {  	_ =	strace $0x8FFFFFFF  }
0x98: {  	s19 =	sld [smem:$0x3FDB];
	_ =	sdelay $0x1  }
0x99: {  	s4 =	simm.s32 $_scs_section_size  }
0x9a: {  	s5 =	simm.s32 $_size__tile_overlayer_lowered;
	s6 =	simm.s32 $_tile_overlayer_lowered  }
0x9b: {  	s22 =	simm.s32 $0x1BFF;
	s21 =	sshll.u32 s6, $0x1;
	s3 =	sadd.s32 s4, s19  }
0x9c: {  	s7 =	simm.s32 $0x0;
	s20 =	sshll.u32 s5, $0x1;
	s5 =	sadd.s32 s21, s3  }
0x9d: {  	[timem:s7], [sflag:s22] =	dma.local [hbm:s5], s20  }
0x9e: {  	_ =	swait.ge [sflag:s22], s20  }
0x9f: {  	s4 =	ssub.s32 $0x0, s20;
	[sflag:s22] =	ssyncset.done $0x0  }
0xa0: {  	[sflag:s22] =	ssyncadd.s32 s4;
	_ =	sdelay $0x1  }
0xa1: {  	s23 =	simm.s32 $0x1B8B  }
0xa2: {  	_ =	swait.ge [sflag:s23], $0x1  }
0xa3: {  	[sflag:s23] =	ssyncset.done $0x0  }
0xa4: {  	s25 =	simm.s32 $0x1B8E;
	s24 =	sld [smem:$0x3FFE];
	[sflag:s23] =	ssyncadd.s32 $0xFFFFFFFF  }
0xa5: {  	s26 =	simm.s32 $execute0_lowered;
	[smem:$0x3FD2] =	sst s25  }
0xa6: {  	s5 =	sshll.u32 s26, $0x1;
	_ =	strace $0x80000049;
	[dreg:$0x1] =	wrdreg $0xFFFFFFFF  }
0xa7: {  	s28 =	simm.s32 $_size_execute0_lowered;
	s3 =	sadd.s32 s3, s5;
	[dreg:$0x0] =	wrdreg $0x0  }
0xa8: {  	s5 =	sshll.u32 s28, $0x1;
	[dreg:$0x2] =	wrdreg s3  }
0xa9: {  	[dreg:$0x3] =	wrdreg s5  }
0xaa: {  	[dreg:$0x4] =	wrdreg $0xC0  }
0xab: {  	_ =	task [dreg:s7], $0x5FFFF  }
0xac: {  	[dreg:$0x1] =	wrdreg $0xFFFFFFFF  }
0xad: {  	[dreg:$0x0] =	wrdreg $0x60  }
0xae: {  	[dreg:$0x2] =	wrdreg s24  }
0xaf: {  	[dreg:$0x3] =	wrdreg s2  }
0xb0: {  	[dreg:$0x4] =	wrdreg $0x9  }
0xb1: {  	_ =	task.clear_ibuf [dreg:s7], $0x5FFFF;
	_ =	strace $0x90000049  }
0xb2: {  	s29 =	simm.s32 $0x9;
	_ =	strace $0x8000004B  }
0xb3: {  	_ =	swait.ge [sflag:s29], $0x1  }
0xb4: {  	[sflag:s29] =	ssyncadd.s32 $0xFFFFFFFF  }
0xb5: {  	_ =	strace $0x9000004B  }
0xb6: {  	_ =	sfence  }
0xb7: {  	s30 =	sld [smem:$0x0];
	_ =	sdelay $0x2  }
0xb8: {  	s31 =	sshll.u32 s1, $0xD;
	s1 =	sshrl.u32 s1, $0x2  }
0xb9: {  	s3 =	sand.u32 $0x4000, s31;
	s1 =	sadd.s32 s1, s30  }
0xba: {  	s0 =	sor.u32 s3, s0;
	s1 =	sshll.u32 s1, $0x11  }
0xbb: {  	s0 =	sor.u32 s1, s0  }
0xbc: {  	s0 =	sadd.s32 $0x8F2B, s0  }
0xbd: {  	[sflag:s0] =	ssyncadd.remote.s32 $0x1  }
0xbe: {  	_ =	sfence.sel $0xFFFF  }
0xbf: {  	[dreg:$0x0] =	wrdreg $0xFFFFFFFF;
	(pc) =	sbr.abs _section_cstart, $3  }
0xc0: {  	[dreg:$0x1] =	wrdreg $0xFFFFFFFF  }
0xc1: {  	_ =	task.clear_ibuf [dreg:s7], $0x2FFFF;
	_ =	strace $0x9FFFFFFF  }
0xc2: {  	(tm) =	ssettm $0x7FFFFFFF  }
0xc3: {  	_ =	shalt  }
tec
execute0_lowered:
.L_overlay_start_1:
0x0: {  	(tag) =	ssettag $0x1  }
0x1: {  	s1 =	srdreg.scid  }
0x2: {  	s4 =	rddreg [dreg:$0x0];
	s0 =	stileid.u32  }
0x3: {  	s3 =	rddreg [dreg:$0x1];
	s2 =	simm.s32 $0x0;
	s17 =	simm.s32 $0xC000  }
0x4: {  	s18 =	simm.s32 $0xC080;
	s19 =	simm.s32 $0x800;
	s20 =	simm.s32 $0xC00  }
0x5: {  	s21 =	simm.s32 $0x1400;
	s23 =	simm.s32 $0x1800;
	[smem:$0x7FF] =	sst s2  }
0x6: {  	s24 =	simm.s32 $0x2000;
	_ =	strace $0x8000004A;
	[dreg:$0x7] =	wrdreg s17  }
0x7: {  	s25 =	simm.s32 $0x2400;
	s26 =	simm.s32 $0x2C00;
	[dreg:$0x8] =	wrdreg s18  }
0x8: {  	s11 =	simm.s32 $0x4400;
	s12 =	simm.s32 $0x4800;
	[dreg:$0x9] =	wrdreg s19  }
0x9: {  	s13 =	simm.s32 $0x5000;
	s14 =	simm.s32 $0x5400;
	[dreg:$0xa] =	wrdreg s20  }
0xa: {  	s28 =	simm.s32 $0xA400;
	s29 =	simm.s32 $0xA800;
	[dreg:$0xb] =	wrdreg s21  }
0xb: {  	s30 =	simm.s32 $0xB000;
	s31 =	simm.s32 $0xB400;
	[dreg:$0xc] =	wrdreg s23  }
0xc: {  	s1 =	sand.u32 $0x1, s1;
	s5 =	sshll.u32 s0, $0x4;
	[dreg:$0xd] =	wrdreg s24  }
0xd: {  	s6 =	sshll.u32 s1, $0x3;
	s1 =	ssub.s32 $0x2, s1;
	[dreg:$0xe] =	wrdreg s25  }
0xe: {  	[dreg:$0xf] =	wrdreg s26;
	s17 =	simm.s32 $0x6800;
	s18 =	simm.s32 $0x6C00  }
0xf: {  	s19 =	simm.s32 $0x7400;
	s20 =	simm.s32 $0x7800;
	s21 =	simm.s32 $0x8000  }
0x10: {  	s23 =	simm.s32 $0x8C00;
	s24 =	simm.s32 $0x9000;
	s5 =	sor.u32 s6, s5  }
0x11: {  	s25 =	simm.s32 $0x9800;
	s26 =	simm.s32 $0x9C00;
	s6 =	sadd.s32 s5, s4  }
0x12: {  	s22 =	sshrl.u32 s1, $0x1;
	s5 =	smul.u32 $0x180, s5;
	s7 =	sadd.s32 $0x11C00, s6  }
0x13: {  	s1 =	ssub.s32 s1, s22;
	s6 =	sadd.s32 $0x11E00, s6;
	[dreg:$0x3] =	wrdreg s7  }
0x14: {  	s22 =	simm.s32 $0x8400;
	s15 =	sadd.s32 s5, s4;
	[dreg:$0x4] =	wrdreg s6  }
0x15: {  	s3 =	sadd.s32 s3, s5;
	s5 =	smax.u32 s1, $0x1;
	s6 =	simm.s32 $0x1  }
0x16: {  	v2 =	vlaneseq.u32;
	s7 =	simm.s32 $0x2;
	s1 =	simm.s32 $0xBC00;
	[dreg:$0x5] =	wrdreg s3  }
0x17: {  	vm0 =	vmmov $0xffff;
	vm1 =	vmmov $0xff;
	v1 =	vshrl.u32 v2, $0x3;
	s16 =	sadd.s32 $0x12000, s15;
	s3 =	sadd.s32 $0x5B200, s4;
	s4 =	sadd.s32 $0x5B300, s4  }
0x18: {  	v0 =	vand.u32 $0x7, v2;
	v2 =	vor.u32 $0x8, v2;
	v1 =	vmul.u32 $0x8, v1;
	s15 =	simm.s32 $0x5C00;
	[dreg:$0x6] =	wrdreg s16;
	s16 =	simm.s32 $0x6000  }
.LBB2_1:
0x19: {  	s0 =	rddreg [dreg:$0x3]  }
0x1a: {  	s8 =	rddreg [dreg:$0x7]  }
0x1b: {  	s9 =	rddreg [dreg:$0x4]  }
0x1c: {  	[tilespmem:s8], [sflag:$0x1] =	stream.linear.gather [hbm4b:s0+s2], $0x40, $0x38;
	[tilespmem:$0xC100] =	vst v63  }
0x1d: {  	s10 =	rddreg [dreg:$0x8]  }
0x1e: {  	[tilespmem:s10], [sflag:$0x2] =	stream.linear.gather [hbm4b:s9+s2], $0x40, $0x38;
	[tilespmem:$0xC100] =	vst v63  }
0x1f: {  	_ =	swait.ge [sflag:s6], $0x40  }
0x20: {  	[sflag:s6] =	ssyncset.done $0x0  }
0x21: {  	[sflag:s6] =	ssyncadd.s32 $0xFFFFFFC0  }
0x22: {  	_ =	swait.ge [sflag:s7], $0x40  }
0x23: {  	[sflag:s7] =	ssyncset.done $0x0  }
0x24: {  	[sflag:s7] =	ssyncadd.s32 $0xFFFFFFC0  }
0x25: {  	v3 =	vld [tilespmem:$0xC000];
	_ =	sdelay $0x4  }
0x26: {  	v4 =	vshrl.u32 v3, $0x3  }
0x27: {  	v4 =	vmul.u32 $0x18, v4  }
0x28: {  	v3 =	vand.u32 $0x7, v3  }
0x29: {  	v3 =	vor.u32 v3, v4  }
0x2a: {  	v4 =	vperm.xlane v3, v0;
	_ =	sdelay $0x1  }
0x2b: {  	v4 =	vadd.s32 v1, v4;
	_ =	sdelay $0x1  }
0x2c: {  	v3 =	vperm.xlane v3, v2;
	_ =	sdelay $0x1  }
0x2d: {  	v3 =	vadd.s32 v1, v3  }
0x2e: {  	[tilespmem:s2], [sflag:$0x1] =	stream.indirect_vreg.gather [hbm4b:s3+s2], $0x80, v4, vm0, $0xb8;
	[tilespmem:$0xC100] =	vst v63  }
0x2f: {  	s8 =	rddreg [dreg:$0x9]  }
0x30: {  	[tilespmem:s8], [sflag:$0x1] =	stream.indirect_vreg.gather [hbm4b:s4+s2], $0x80, v4, vm1, $0xb8;
	[tilespmem:$0xC100] =	vst v63  }
0x31: {  	s9 =	rddreg [dreg:$0xa]  }
0x32: {  	[tilespmem:s9], [sflag:$0x1] =	stream.indirect_vreg.gather [hbm4b:s3+s2], $0x80, v3, vm0, $0xb8;
	[tilespmem:$0xC100] =	vst v63  }
0x33: {  	s10 =	rddreg [dreg:$0xb]  }
0x34: {  	[tilespmem:s10], [sflag:$0x1] =	stream.indirect_vreg.gather [hbm4b:s4+s2], $0x80, v3, vm1, $0xb8;
	[tilespmem:$0xC100] =	vst v63  }
0x35: {  	v3 =	vld [tilespmem:$0xC010];
	_ =	sdelay $0x4  }
0x36: {  	v57 =	vshrl.u32 v3, $0x3  }
0x37: {  	v4 =	vmul.u32 $0x18, v57  }
0x38: {  	v3 =	vand.u32 $0x7, v3  }
0x39: {  	v3 =	vor.u32 v3, v4  }
0x3a: {  	v4 =	vperm.xlane v3, v0;
	_ =	sdelay $0x1  }
0x3b: {  	v4 =	vadd.s32 v1, v4;
	_ =	sdelay $0x1  }
0x3c: {  	v3 =	vperm.xlane v3, v2;
	_ =	sdelay $0x1  }
0x3d: {  	s9 =	rddreg [dreg:$0xc];
	v3 =	vadd.s32 v1, v3  }
0x3e: {  	[tilespmem:s9], [sflag:$0x1] =	stream.indirect_vreg.gather [hbm4b:s3+s2], $0x80, v4, vm0, $0xb8;
	[tilespmem:$0xC100] =	vst v63  }
0x3f: {  	s10 =	rddreg [dreg:$0xd]  }
0x40: {  	[tilespmem:s10], [sflag:$0x1] =	stream.indirect_vreg.gather [hbm4b:s4+s2], $0x80, v4, vm1, $0xb8;
	[tilespmem:$0xC100] =	vst v63  }
0x41: {  	s9 =	rddreg [dreg:$0xe]  }
0x42: {  	[tilespmem:s9], [sflag:$0x1] =	stream.indirect_vreg.gather [hbm4b:s3+s2], $0x80, v3, vm0, $0xb8;
	[tilespmem:$0xC100] =	vst v63  }
0x43: {  	s10 =	rddreg [dreg:$0xf]  }
0x44: {  	[tilespmem:s10], [sflag:$0x1] =	stream.indirect_vreg.gather [hbm4b:s4+s2], $0x80, v3, vm1, $0xb8;
	[tilespmem:$0xC100] =	vst v63  }
0x45: {  	v3 =	vld [tilespmem:$0xC020];
	_ =	sdelay $0x4  }
0x46: {  	v58 =	vshrl.u32 v3, $0x3  }
0x47: {  	v4 =	vmul.u32 $0x18, v58  }
0x48: {  	v3 =	vand.u32 $0x7, v3  }
0x49: {  	v3 =	vor.u32 v3, v4  }
0x4a: {  	v4 =	vperm.xlane v3, v0;
	_ =	sdelay $0x1  }
0x4b: {  	v4 =	vadd.s32 v1, v4;
	_ =	sdelay $0x1  }
0x4c: {  	v3 =	vperm.xlane v3, v2;
	_ =	sdelay $0x1  }
0x4d: {  	s9 =	simm.s32 $0x3000;
	v3 =	vadd.s32 v1, v3  }
0x4e: {  	[tilespmem:s9], [sflag:$0x1] =	stream.indirect_vreg.gather [hbm4b:s3+s2], $0x80, v4, vm0, $0xb8;
	[tilespmem:$0xC100] =	vst v63  }
0x4f: {  	s10 =	simm.s32 $0x3800  }
0x50: {  	[tilespmem:s10], [sflag:$0x1] =	stream.indirect_vreg.gather [hbm4b:s4+s2], $0x80, v4, vm1, $0xb8;
	[tilespmem:$0xC100] =	vst v63  }
0x51: {  	s8 =	simm.s32 $0x3C00  }
0x52: {  	[tilespmem:s8], [sflag:$0x1] =	stream.indirect_vreg.gather [hbm4b:s3+s2], $0x80, v3, vm0, $0xb8;
	[tilespmem:$0xC100] =	vst v63  }
0x53: {  	_ = 	snop  }
0x54: {  	[tilespmem:s11], [sflag:$0x1] =	stream.indirect_vreg.gather [hbm4b:s4+s2], $0x80, v3, vm1, $0xb8;
	[tilespmem:$0xC100] =	vst v63  }
0x55: {  	v3 =	vld [tilespmem:$0xC030];
	_ =	sdelay $0x4  }
0x56: {  	v59 =	vshrl.u32 v3, $0x3  }
0x57: {  	v4 =	vmul.u32 $0x18, v59  }
0x58: {  	v3 =	vand.u32 $0x7, v3  }
0x59: {  	v3 =	vor.u32 v3, v4  }
0x5a: {  	v4 =	vperm.xlane v3, v0;
	_ =	sdelay $0x1  }
0x5b: {  	v4 =	vadd.s32 v1, v4;
	_ =	sdelay $0x1  }
0x5c: {  	v3 =	vperm.xlane v3, v2;
	_ =	sdelay $0x1  }
0x5d: {  	v3 =	vadd.s32 v1, v3  }
0x5e: {  	[tilespmem:s12], [sflag:$0x1] =	stream.indirect_vreg.gather [hbm4b:s3+s2], $0x80, v4, vm0, $0xb8;
	[tilespmem:$0xC100] =	vst v63  }
0x5f: {  	_ = 	snop  }
0x60: {  	[tilespmem:s13], [sflag:$0x1] =	stream.indirect_vreg.gather [hbm4b:s4+s2], $0x80, v4, vm1, $0xb8;
	[tilespmem:$0xC100] =	vst v63  }
0x61: {  	_ = 	snop  }
0x62: {  	[tilespmem:s14], [sflag:$0x1] =	stream.indirect_vreg.gather [hbm4b:s3+s2], $0x80, v3, vm0, $0xb8;
	[tilespmem:$0xC100] =	vst v63  }
0x63: {  	_ = 	snop  }
0x64: {  	[tilespmem:s15], [sflag:$0x1] =	stream.indirect_vreg.gather [hbm4b:s4+s2], $0x80, v3, vm1, $0xb8;
	[tilespmem:$0xC100] =	vst v63  }
0x65: {  	v3 =	vld [tilespmem:$0xC080];
	_ =	sdelay $0x4  }
0x66: {  	v60 =	vshrl.u32 v3, $0x3  }
0x67: {  	v4 =	vmul.u32 $0x18, v60  }
0x68: {  	v3 =	vand.u32 $0x7, v3  }
0x69: {  	v3 =	vor.u32 v3, v4  }
0x6a: {  	v4 =	vperm.xlane v3, v0;
	_ =	sdelay $0x1  }
0x6b: {  	v4 =	vadd.s32 v1, v4;
	_ =	sdelay $0x1  }
0x6c: {  	v3 =	vperm.xlane v3, v2;
	_ =	sdelay $0x1  }
0x6d: {  	v3 =	vadd.s32 v1, v3  }
0x6e: {  	[tilespmem:s16], [sflag:$0x2] =	stream.indirect_vreg.gather [hbm4b:s3+s2], $0x80, v4, vm0, $0xb8;
	[tilespmem:$0xC100] =	vst v63  }
0x6f: {  	_ = 	snop  }
0x70: {  	[tilespmem:s17], [sflag:$0x2] =	stream.indirect_vreg.gather [hbm4b:s4+s2], $0x80, v4, vm1, $0xb8;
	[tilespmem:$0xC100] =	vst v63  }
0x71: {  	_ = 	snop  }
0x72: {  	[tilespmem:s18], [sflag:$0x2] =	stream.indirect_vreg.gather [hbm4b:s3+s2], $0x80, v3, vm0, $0xb8;
	[tilespmem:$0xC100] =	vst v63  }
0x73: {  	_ = 	snop  }
0x74: {  	[tilespmem:s19], [sflag:$0x2] =	stream.indirect_vreg.gather [hbm4b:s4+s2], $0x80, v3, vm1, $0xb8;
	[tilespmem:$0xC100] =	vst v63  }
0x75: {  	v3 =	vld [tilespmem:$0xC090];
	_ =	sdelay $0x4  }
0x76: {  	v61 =	vshrl.u32 v3, $0x3  }
0x77: {  	v4 =	vmul.u32 $0x18, v61  }
0x78: {  	v3 =	vand.u32 $0x7, v3  }
0x79: {  	v3 =	vor.u32 v3, v4  }
0x7a: {  	v4 =	vperm.xlane v3, v0;
	_ =	sdelay $0x1  }
0x7b: {  	v4 =	vadd.s32 v1, v4;
	_ =	sdelay $0x1  }
0x7c: {  	v3 =	vperm.xlane v3, v2;
	_ =	sdelay $0x1  }
0x7d: {  	v3 =	vadd.s32 v1, v3  }
0x7e: {  	[tilespmem:s20], [sflag:$0x2] =	stream.indirect_vreg.gather [hbm4b:s3+s2], $0x80, v4, vm0, $0xb8;
	[tilespmem:$0xC100] =	vst v63  }
0x7f: {  	_ = 	snop  }
0x80: {  	[tilespmem:s21], [sflag:$0x2] =	stream.indirect_vreg.gather [hbm4b:s4+s2], $0x80, v4, vm1, $0xb8;
	[tilespmem:$0xC100] =	vst v63  }
0x81: {  	_ = 	snop  }
0x82: {  	[tilespmem:s22], [sflag:$0x2] =	stream.indirect_vreg.gather [hbm4b:s3+s2], $0x80, v3, vm0, $0xb8;
	[tilespmem:$0xC100] =	vst v63  }
0x83: {  	_ = 	snop  }
0x84: {  	[tilespmem:s23], [sflag:$0x2] =	stream.indirect_vreg.gather [hbm4b:s4+s2], $0x80, v3, vm1, $0xb8;
	[tilespmem:$0xC100] =	vst v63  }
0x85: {  	v3 =	vld [tilespmem:$0xC0A0];
	_ =	sdelay $0x4  }
0x86: {  	v62 =	vshrl.u32 v3, $0x3  }
0x87: {  	v4 =	vmul.u32 $0x18, v62  }
0x88: {  	v3 =	vand.u32 $0x7, v3  }
0x89: {  	v3 =	vor.u32 v3, v4  }
0x8a: {  	v4 =	vperm.xlane v3, v0;
	_ =	sdelay $0x1  }
0x8b: {  	v4 =	vadd.s32 v1, v4;
	_ =	sdelay $0x1  }
0x8c: {  	v3 =	vperm.xlane v3, v2;
	_ =	sdelay $0x1  }
0x8d: {  	v3 =	vadd.s32 v1, v3  }
0x8e: {  	[tilespmem:s24], [sflag:$0x2] =	stream.indirect_vreg.gather [hbm4b:s3+s2], $0x80, v4, vm0, $0xb8;
	[tilespmem:$0xC100] =	vst v63  }
0x8f: {  	_ = 	snop  }
0x90: {  	[tilespmem:s25], [sflag:$0x2] =	stream.indirect_vreg.gather [hbm4b:s4+s2], $0x80, v4, vm1, $0xb8;
	[tilespmem:$0xC100] =	vst v63  }
0x91: {  	_ = 	snop  }
0x92: {  	[tilespmem:s26], [sflag:$0x2] =	stream.indirect_vreg.gather [hbm4b:s3+s2], $0x80, v3, vm0, $0xb8;
	[tilespmem:$0xC100] =	vst v63  }
0x93: {  	_ = 	snop  }
0x94: {  	[tilespmem:s28], [sflag:$0x2] =	stream.indirect_vreg.gather [hbm4b:s4+s2], $0x80, v3, vm1, $0xb8;
	[tilespmem:$0xC100] =	vst v63  }
0x95: {  	v3 =	vld [tilespmem:$0xC0B0];
	_ =	sdelay $0x4  }
0x96: {  	v63 =	vshrl.u32 v3, $0x3  }
0x97: {  	v4 =	vmul.u32 $0x18, v63  }
0x98: {  	v3 =	vand.u32 $0x7, v3  }
0x99: {  	v3 =	vor.u32 v3, v4  }
0x9a: {  	v4 =	vperm.xlane v3, v0;
	_ =	sdelay $0x1  }
0x9b: {  	v4 =	vadd.s32 v1, v4;
	_ =	sdelay $0x1  }
0x9c: {  	v3 =	vperm.xlane v3, v2;
	_ =	sdelay $0x1  }
0x9d: {  	v3 =	vadd.s32 v1, v3  }
0x9e: {  	[tilespmem:s29], [sflag:$0x2] =	stream.indirect_vreg.gather [hbm4b:s3+s2], $0x80, v4, vm0, $0xb8;
	[tilespmem:$0xC100] =	vst v63  }
0x9f: {  	_ = 	snop  }
0xa0: {  	[tilespmem:s30], [sflag:$0x2] =	stream.indirect_vreg.gather [hbm4b:s4+s2], $0x80, v4, vm1, $0xb8;
	[tilespmem:$0xC100] =	vst v63  }
0xa1: {  	_ = 	snop  }
0xa2: {  	[tilespmem:s31], [sflag:$0x2] =	stream.indirect_vreg.gather [hbm4b:s3+s2], $0x80, v3, vm0, $0xb8;
	[tilespmem:$0xC100] =	vst v63  }
0xa3: {  	_ = 	snop  }
0xa4: {  	[tilespmem:s1], [sflag:$0x2] =	stream.indirect_vreg.gather [hbm4b:s4+s2], $0x80, v3, vm1, $0xb8;
	[tilespmem:$0xC100] =	vst v63  }
0xa5: {  	_ =	swait.ge [sflag:s6], $0x6000  }
0xa6: {  	[sflag:s6] =	ssyncset.done $0x0  }
0xa7: {  	[sflag:s6] =	ssyncadd.s32 $0xFFFFA000  }
0xa8: {  	_ =	swait.ge [sflag:s7], $0x6000  }
0xa9: {  	[sflag:s7] =	ssyncset.done $0x0  }
0xaa: {  	s9 =	rddreg [dreg:$0x5];
	[sflag:s7] =	ssyncadd.s32 $0xFFFFA000  }
0xab: {  	[hbm4b:s9+s2] =	stream.linear.scatter [tilespmem:s2], [sflag:$0x1], $0x6000, $0x38;
	[tilespmem:$0xC100] =	vst v63  }
0xac: {  	s10 =	rddreg [dreg:$0x6]  }
0xad: {  	[hbm4b:s10+s2] =	stream.linear.scatter [tilespmem:s16], [sflag:$0x2], $0x6000, $0x38;
	[tilespmem:$0xC100] =	vst v63  }
0xae: {  	p0 =	sne.s32 s5, $0x1;
	_ =	swait.ge [sflag:s6], $0x6000  }
.Ltmp0:
0xaf: {  	[sflag:s6] =	ssyncset.done $0x0;
	(pc) =	sbr.rel @p0 .LBB2_1-.Ltmp0, $4  }
0xb0: {  	[sflag:s6] =	ssyncadd.s32 $0xFFFFA000  }
0xb1: {  	_ =	swait.ge [sflag:s7], $0x6000  }
0xb2: {  	[sflag:s7] =	ssyncset.done $0x0  }
0xb3: {  	s5 =	sadd.s32 $0xFFFFFFFF, s5;
	[sflag:s7] =	ssyncadd.s32 $0xFFFFA000  }
0xb4: {  	_ =	sfence.sel $0x180000  }
0xb5: {  	[bflag:$0x0] =	sbarrier.arrive $0xFFFF  }
0xb6: {  	_ =	strace $0x9000004A  }
0xb7: {  	s0 =	stileid.u32;
	[bflag:$0x2] =	sbarrier.arrive $0xFFFF  }
0xb8: {  	p0 =	sne.s32 s0, $0x0;
	s0 =	rddreg [dreg:$0x2]  }
0xb9: {  	s0 =	sadd.s32 @!p0 $0x100000, s0  }
0xba: {  	[sflag:s0] =	ssyncadd.tile.s32 @!p0 $0x1;
	_ =	shalt  }
.Lfunc_end2:
_tile_overlayer_lowered:
.L_overlay_start_2:
0xbb: {  	(tag) =	ssettag $0x2  }
0xbc: {  	s0 =	rddreg [dreg:$0x0];
	s2 =	stileid.u32  }
0xbd: {  	s1 =	rddreg [dreg:$0x1];
	p0 =	sne.s32 s2, $0x0  }
0xbe: {  	s3 =	rddreg [dreg:$0x2];
	[bflag:$0x3] =	sbarrier.arrive $0xFFFF;
	s2 =	simm.s32 @!p0 $0x1C03  }
0xbf: {  	[timem:s3], [sflag:s2] =	dma.local @!p0 [hbm:s0], s1  }
0xc0: {  	s0 =	simm.s32 @!p0 $0x3  }
0xc1: {  	_ =	swait.ge @!p0 [sflag:s0], s1  }
0xc2: {  	s1 =	ssub.s32 @!p0 $0x0, s1;
	[sflag:s0] =	ssyncset.done @!p0 $0x0  }
0xc3: {  	[sflag:s0] =	ssyncadd.s32 @!p0 s1  }
0xc4: {  	[bflag:$0x3] =	sbarrier.arrive $0xFFFF  }
0xc5: {  	_ =	shalt  }

// kernel: kernel.7.cloned.1.call-start
scs
__scs_entry_jumppad:
0x0: {  	(pc) =	sbr.rel $0x88, $3  }
0x1: {  	(tag) =	ssettag $0x0;
	lr =	simm.s32 $0x1  }
0x2: {  	[smem:$0x3F98] =	sst lr;
	_ =	strace $0xD0000000  }
0x3: {  	_ = 	snop  }
0x4: {  	_ = 	snop  }
0x5: {  	_ = 	snop  }
0x6: {  	_ = 	snop  }
0x7: {  	_ = 	snop  }
__scs_overlays_trampoline_lowered:
0x8: {  	[smem:$0x3FA7] =	sst s0  }
0x9: {  	[smem:$0x3FA8] =	sst s1  }
0xa: {  	[smem:$0x3FA9] =	sst s2  }
0xb: {  	[smem:$0x3FAA] =	sst s3  }
0xc: {  	[smem:$0x3FAB] =	sst s4  }
0xd: {  	[smem:$0x3FAC] =	sst s5  }
0xe: {  	[smem:$0x3FAD] =	sst s6  }
0xf: {  	[smem:$0x3FAE] =	sst s7  }
0x10: {  	[smem:$0x3FAF] =	sst s8  }
0x11: {  	[smem:$0x3FB0] =	sst s9;
	s0 =	simm.s32 @!p0 $0x0  }
0x12: {  	s1 =	sld [smem:$0x3F96];
	s0 =	simm.s32 @p0 $0x1  }
0x13: {  	[smem:$0x3FB1] =	sst s0;
	s0 =	simm.s32 @!p1 $0x0  }
0x14: {  	s2 =	sld [smem:$0x3F95];
	s0 =	simm.s32 @p1 $0x1  }
0x15: {  	[smem:$0x3FB2] =	sst s0;
	s0 =	simm.s32 @!p2 $0x0  }
0x16: {  	s3 =	sld [smem:$0x3FDB];
	s0 =	simm.s32 @p2 $0x1  }
0x17: {  	s4 =	simm.s32 $0x1BF5;
	[smem:$0x3FB4] =	sst s0  }
0x18: {  	s0 =	sld [smem:$0x3F97];
	_ =	swait.ge [sflag:s4], $0x0  }
0x19: {  	s7 =	sld [smem:$0x3F98]  }
0x1a: {  	s8 =	sadd.s32 $0xFFFFE003, lr  }
0x1b: {  	s9 =	sadd.s32 $0xFFFFFEF7, lr;
	s5 =	simm.s32 $0xFFFFFFFF;
	p2 =	slt.u32 s8, $0xFFFFF086  }
0x1c: {  	p1 =	slt.u32 s9, $0xF7A;
	s5 =	simm.s32 @!p2 $0x0  }
0x1d: {  	s5 =	simm.s32 @p1 $0x1;
	p0 =	seq.s32 s7, s2  }
0x1e: {  	s7 =	smul.u32 @!p0 $0xF7A, s2;
	p2 =	seq.s32 @!p0 s5, $0x0  }
0x1f: {  	s9 =	smul.u32 $0xF7A, s1;
	s8 =	simm.s32 @!p0 $0x1BF5;
	p2 =	por !p2, p0  }
0x20: {  	[sflag:s8] =	ssyncset.s32 @!p0 $0xFFFFF086;
	s6 =	sadd.s32 @!p0 s3, s7;
	s7 =	simm.s32 @!p0 $0x108  }
0x21: {  	s3 =	sadd.s32 s3, s9;
	s6 =	sadd.s32 @!p0 $0x88, s6;
	s7 =	simm.s32 @p2 $0x1082  }
0x22: {  	[simem:s7], [sflag:s8] =	dma.local @!p0 [hbm:s6], $0xF7A  }
0x23: {  	s9 =	sor.u32 $0xD0000000, s2;
	s6 =	simm.s32 $0x108;
	_ =	swait.ge @!p0 [sflag:s8], $0x0  }
0x24: {  	s3 =	sadd.s32 $0x88, s3;
	s6 =	simm.s32 @!p1 $0x1082;
	[sflag:s4] =	ssyncset.s32 $0xFFFFF086  }
0x25: {  	[simem:s6], [sflag:s4] =	dma.local [hbm:s3], $0xF7A  }
0x26: {  	[smem:$0x3F98] =	sst s1;
	(tag) =	ssettag s2;
	_ =	strace s9  }
0x27: {  	s1 =	sld [smem:$0x3FA8]  }
0x28: {  	s2 =	sld [smem:$0x3FA9]  }
0x29: {  	s4 =	sld [smem:$0x3FAB]  }
0x2a: {  	p0 =	seq.s32 s5, $0x0;
	s5 =	sld [smem:$0x3FAC]  }
0x2b: {  	s6 =	sld [smem:$0x3FAD]  }
0x2c: {  	s7 =	sld [smem:$0x3FAE]  }
0x2d: {  	s3 =	simm.s32 $0x108;
	s8 =	sld [smem:$0x3FAF]  }
0x2e: {  	s3 =	simm.s32 @!p0 $0x1082;
	s9 =	sld [smem:$0x3FB0]  }
0x2f: {  	lr =	sadd.s32 s0, s3;
	s0 =	sld [smem:$0x3FA7]  }
0x30: {  	s3 =	sld [smem:$0x3FAA]  }
0x31: {  	[smem:$0x3FB3] =	sst s10  }
0x32: {  	s10 =	sld [smem:$0x3FB1];
	_ =	sdelay $0x3  }
0x33: {  	p0 =	seq.s32 s10, $0x1;
	s10 =	sld [smem:$0x3FB3];
	_ =	sdelay $0x3  }
0x34: {  	[smem:$0x3FB3] =	sst s10  }
0x35: {  	s10 =	sld [smem:$0x3FB2];
	_ =	sdelay $0x3  }
0x36: {  	p1 =	seq.s32 s10, $0x1;
	s10 =	sld [smem:$0x3FB3];
	_ =	sdelay $0x3  }
0x37: {  	[smem:$0x3FB3] =	sst s10  }
0x38: {  	s10 =	sld [smem:$0x3FB4]  }
0x39: {  	_ = 	snop;
	(pc) =	sbr.ind lr, $3  }
0x3a: {  	_ = 	snop  }
0x3b: {  	_ = 	snop  }
0x3c: {  	p2 =	seq.s32 s10, $0x1;
	s10 =	sld [smem:$0x3FB3]  }
0x3d: {  	_ =	shalt  }
0x3e: {  	_ =	shalt  }
0x3f: {  	_ =	shalt  }
0x40: {  	_ =	shalt  }
0x41: {  	_ =	shalt  }
0x42: {  	_ =	shalt  }
0x43: {  	_ =	shalt  }
0x44: {  	_ =	shalt  }
0x45: {  	_ =	shalt  }
0x46: {  	_ =	shalt  }
0x47: {  	_ =	shalt  }
0x48: {  	_ =	shalt  }
0x49: {  	_ =	shalt  }
0x4a: {  	_ =	shalt  }
0x4b: {  	_ =	shalt  }
0x4c: {  	_ =	shalt  }
0x4d: {  	_ =	shalt  }
0x4e: {  	_ =	shalt  }
0x4f: {  	_ =	shalt  }
0x50: {  	_ =	shalt  }
0x51: {  	_ =	shalt  }
0x52: {  	_ =	shalt  }
0x53: {  	_ =	shalt  }
0x54: {  	_ =	shalt  }
0x55: {  	_ =	shalt  }
0x56: {  	_ =	shalt  }
0x57: {  	_ =	shalt  }
0x58: {  	_ =	shalt  }
0x59: {  	_ =	shalt  }
0x5a: {  	_ =	shalt  }
0x5b: {  	_ =	shalt  }
0x5c: {  	_ =	shalt  }
0x5d: {  	_ =	shalt  }
0x5e: {  	_ =	shalt  }
0x5f: {  	_ =	shalt  }
0x60: {  	_ =	shalt  }
0x61: {  	_ =	shalt  }
0x62: {  	_ =	shalt  }
0x63: {  	_ =	shalt  }
0x64: {  	_ =	shalt  }
0x65: {  	_ =	shalt  }
0x66: {  	_ =	shalt  }
0x67: {  	_ =	shalt  }
0x68: {  	_ =	shalt  }
0x69: {  	_ =	shalt  }
0x6a: {  	_ =	shalt  }
0x6b: {  	_ =	shalt  }
0x6c: {  	_ =	shalt  }
0x6d: {  	_ =	shalt  }
0x6e: {  	_ =	shalt  }
0x6f: {  	_ =	shalt  }
0x70: {  	_ =	shalt  }
0x71: {  	_ =	shalt  }
0x72: {  	_ =	shalt  }
0x73: {  	_ =	shalt  }
0x74: {  	_ =	shalt  }
0x75: {  	_ =	shalt  }
0x76: {  	_ =	shalt  }
0x77: {  	_ =	shalt  }
0x78: {  	_ =	shalt  }
0x79: {  	_ =	shalt  }
0x7a: {  	_ =	shalt  }
0x7b: {  	_ =	shalt  }
0x7c: {  	_ =	shalt  }
0x7d: {  	_ =	shalt  }
0x7e: {  	_ =	shalt  }
0x7f: {  	_ =	shalt  }
0x80: {  	_ =	shalt  }
0x81: {  	_ =	shalt  }
0x82: {  	_ =	shalt  }
0x83: {  	_ =	shalt  }
0x84: {  	_ =	shalt  }
0x85: {  	_ =	shalt  }
0x86: {  	_ =	shalt  }
0x87: {  	_ =	shalt  }
.Lfunc_end0:
.L_simem_size_0:
called_computation_lowered:
.L_overlay_start_0:
0x88: {  	s2 =	sld [smem:$0x3FD9]  }
0x89: {  	s3 =	sld [smem:$0x3FFE];
	_ =	sdelay $0x1  }
0x8a: {  	s1 =	srdreg.scid  }
0x8b: {  	s0 =	sand.u32 $0x1, s1  }
0x8c: {  	s17 =	sshll.u32 s0, $0xA;
	s2 =	sadd.s32 s3, s2  }
0x8d: {  	s2 =	sadd.s32 s2, s17  }
0x8e: {  	[smem:$0x3FBF] =	sst s2  }
0x8f: {  	_ = 	snop  }
0x90: {  	s2 =	sld [smem:$0x3FD0];
	(tm) =	ssettm $0x1  }
0x91: {  	s18 =	sld [smem:$0x3FFB];
	_ =	sdelay $0x3  }
0x92: {  	_ =	strace s18  }
0x93: {  	s3 =	sld [smem:$0x3FFC];
	_ =	sdelay $0x3  }
0x94: {  	_ =	strace s3  }
0x95: {  	s3 =	sld [smem:$0x3FFD];
	_ =	sdelay $0x3  }
0x96: {  	_ =	strace s3  }
0x97: {  	_ =	strace $0x8FFFFFFF  }
0x98: {  	s19 =	sld [smem:$0x3FDB];
	_ =	sdelay $0x1  }
0x99: {  	s4 =	simm.s32 $_scs_section_size  }
0x9a: {  	s5 =	simm.s32 $_size__tile_overlayer_lowered;
	s6 =	simm.s32 $_tile_overlayer_lowered  }
0x9b: {  	s22 =	simm.s32 $0x1BFF;
	s21 =	sshll.u32 s6, $0x1;
	s3 =	sadd.s32 s4, s19  }
0x9c: {  	s7 =	simm.s32 $0x0;
	s20 =	sshll.u32 s5, $0x1;
	s5 =	sadd.s32 s21, s3  }
0x9d: {  	[timem:s7], [sflag:s22] =	dma.local [hbm:s5], s20  }
0x9e: {  	_ =	swait.ge [sflag:s22], s20  }
0x9f: {  	s4 =	ssub.s32 $0x0, s20;
	[sflag:s22] =	ssyncset.done $0x0  }
0xa0: {  	[sflag:s22] =	ssyncadd.s32 s4;
	_ =	sdelay $0x1  }
0xa1: {  	s23 =	simm.s32 $0x1B8B  }
0xa2: {  	_ =	swait.ge [sflag:s23], $0x1  }
0xa3: {  	[sflag:s23] =	ssyncset.done $0x0  }
0xa4: {  	s25 =	simm.s32 $0x1B8E;
	s24 =	sld [smem:$0x3FFE];
	[sflag:s23] =	ssyncadd.s32 $0xFFFFFFFF  }
0xa5: {  	s26 =	simm.s32 $execute0_lowered;
	[smem:$0x3FD2] =	sst s25  }
0xa6: {  	s5 =	sshll.u32 s26, $0x1;
	_ =	strace $0x80000046;
	[dreg:$0x1] =	wrdreg $0xFFFFFFFF  }
0xa7: {  	s28 =	simm.s32 $_size_execute0_lowered;
	s3 =	sadd.s32 s3, s5;
	[dreg:$0x0] =	wrdreg $0x0  }
0xa8: {  	s5 =	sshll.u32 s28, $0x1;
	[dreg:$0x2] =	wrdreg s3  }
0xa9: {  	[dreg:$0x3] =	wrdreg s5  }
0xaa: {  	[dreg:$0x4] =	wrdreg $0xC0  }
0xab: {  	_ =	task [dreg:s7], $0x5FFFF  }
0xac: {  	[dreg:$0x1] =	wrdreg $0xFFFFFFFF  }
0xad: {  	[dreg:$0x0] =	wrdreg $0x60  }
0xae: {  	[dreg:$0x2] =	wrdreg s2  }
0xaf: {  	[dreg:$0x3] =	wrdreg s24  }
0xb0: {  	[dreg:$0x4] =	wrdreg $0x9  }
0xb1: {  	_ =	task.clear_ibuf [dreg:s7], $0x5FFFF;
	_ =	strace $0x90000046  }
0xb2: {  	s29 =	simm.s32 $0x9;
	_ =	strace $0x80000048  }
0xb3: {  	_ =	swait.ge [sflag:s29], $0x1  }
0xb4: {  	[sflag:s29] =	ssyncadd.s32 $0xFFFFFFFF  }
0xb5: {  	_ =	strace $0x90000048  }
0xb6: {  	_ =	sfence  }
0xb7: {  	s30 =	sld [smem:$0x0];
	_ =	sdelay $0x2  }
0xb8: {  	s31 =	sshll.u32 s1, $0xD;
	s1 =	sshrl.u32 s1, $0x2  }
0xb9: {  	s3 =	sand.u32 $0x4000, s31;
	s1 =	sadd.s32 s1, s30  }
0xba: {  	s0 =	sor.u32 s3, s0;
	s1 =	sshll.u32 s1, $0x11  }
0xbb: {  	s0 =	sor.u32 s1, s0  }
0xbc: {  	s0 =	sadd.s32 $0x8F2B, s0  }
0xbd: {  	[sflag:s0] =	ssyncadd.remote.s32 $0x1  }
0xbe: {  	_ =	sfence.sel $0xFFFF  }
0xbf: {  	[dreg:$0x0] =	wrdreg $0xFFFFFFFF;
	(pc) =	sbr.abs _section_cstart, $3  }
0xc0: {  	[dreg:$0x1] =	wrdreg $0xFFFFFFFF  }
0xc1: {  	_ =	task.clear_ibuf [dreg:s7], $0x2FFFF;
	_ =	strace $0x9FFFFFFF  }
0xc2: {  	(tm) =	ssettm $0x7FFFFFFF  }
0xc3: {  	_ =	shalt  }
tec
execute0_lowered:
.L_overlay_start_1:
0x0: {  	(tag) =	ssettag $0x1  }
0x1: {  	s4 =	rddreg [dreg:$0x0]  }
0x2: {  	s7 =	rddreg [dreg:$0x1];
	s2 =	srdreg.scid  }
0x3: {  	s0 =	rddreg [dreg:$0x2];
	s1 =	stileid.u32;
	s11 =	simm.s32 $0x1  }
0x4: {  	s12 =	simm.s32 $0x2;
	s13 =	simm.s32 $0x800;
	s14 =	simm.s32 $0xC00  }
0x5: {  	s15 =	simm.s32 $0x1400;
	s16 =	simm.s32 $0x1800;
	s17 =	simm.s32 $0x2000  }
0x6: {  	s18 =	simm.s32 $0x2400;
	s19 =	simm.s32 $0x2C00;
	s20 =	simm.s32 $0x3000  }
0x7: {  	s21 =	simm.s32 $0x3800;
	s22 =	simm.s32 $0x3C00;
	s23 =	simm.s32 $0x4400  }
0x8: {  	s24 =	simm.s32 $0x4800;
	s25 =	simm.s32 $0x5000;
	s26 =	simm.s32 $0x5400  }
0x9: {  	s28 =	simm.s32 $0x5C00;
	s3 =	sand.u32 $0x1, s2;
	s2 =	simm.s32 $0x0  }
0xa: {  	s5 =	sshll.u32 s1, $0x4;
	s6 =	sshll.u32 s3, $0x3;
	[smem:$0x7FF] =	sst s2  }
0xb: {  	s31 =	ssub.s32 $0x2, s3;
	s3 =	sadd.s32 $0x12000, s7;
	s5 =	sor.u32 s6, s5  }
0xc: {  	_ =	strace $0x80000047;
	s8 =	sshrl.u32 s31, $0x1;
	s9 =	smul.u32 $0x180, s5  }
0xd: {  	v2 =	vlaneseq.u32;
	s10 =	sadd.s32 s5, s7;
	s8 =	ssub.s32 s31, s8;
	s7 =	sadd.s32 $0x12100, s7  }
0xe: {  	vm0 =	vmmov $0xffff;
	vm1 =	vmmov $0xff;
	v1 =	vshrl.u32 v2, $0x3;
	s5 =	sadd.s32 $0x11C00, s10;
	s6 =	sadd.s32 $0x11E00, s10;
	s8 =	smax.u32 s8, $0x1  }
0xf: {  	v0 =	vand.u32 $0x7, v2;
	v2 =	vor.u32 $0x8, v2;
	v1 =	vmul.u32 $0x8, v1;
	s10 =	simm.s32 $0x6080;
	s4 =	sadd.s32 s4, s9;
	s9 =	simm.s32 $0x6000  }
.LBB2_1:
0x10: {  	[tilespmem:s2], [sflag:$0x1] =	stream.linear.gather [hbm4b:s4+s2], $0x6000, $0x38;
	[tilespmem:$0x6100] =	vst v63  }
0x11: {  	_ = 	snop  }
0x12: {  	[tilespmem:s9], [sflag:$0x2] =	stream.linear.gather [hbm4b:s5+s2], $0x40, $0x38;
	[tilespmem:$0x6100] =	vst v63  }
0x13: {  	_ = 	snop  }
0x14: {  	[tilespmem:s10], [sflag:$0x2] =	stream.linear.gather [hbm4b:s6+s2], $0x40, $0x38;
	[tilespmem:$0x6100] =	vst v63  }
0x15: {  	_ =	swait.ge [sflag:s11], $0x6000  }
0x16: {  	[sflag:s11] =	ssyncset.done $0x0  }
0x17: {  	[sflag:s11] =	ssyncadd.s32 $0xFFFFA000  }
0x18: {  	_ =	swait.ge [sflag:s12], $0x40  }
0x19: {  	[sflag:s12] =	ssyncset.done $0x0  }
0x1a: {  	[sflag:s12] =	ssyncadd.s32 $0xFFFFFFC0  }
0x1b: {  	_ =	swait.ge [sflag:s12], $0x40  }
0x1c: {  	[sflag:s12] =	ssyncset.done $0x0  }
0x1d: {  	[sflag:s12] =	ssyncadd.s32 $0xFFFFFFC0  }
0x1e: {  	v3 =	vld [tilespmem:$0x6000];
	_ =	sdelay $0x4  }
0x1f: {  	v4 =	vshrl.u32 v3, $0x3  }
0x20: {  	v4 =	vmul.u32 $0x18, v4  }
0x21: {  	v3 =	vand.u32 $0x7, v3  }
0x22: {  	v3 =	vor.u32 v3, v4  }
0x23: {  	v4 =	vperm.xlane v3, v0;
	_ =	sdelay $0x1  }
0x24: {  	v4 =	vadd.s32 v1, v4;
	_ =	sdelay $0x1  }
0x25: {  	v3 =	vperm.xlane v3, v2;
	_ =	sdelay $0x1  }
0x26: {  	v3 =	vadd.s32 v1, v3  }
0x27: {  	[hbm4b:s3+s2] =	stream.indirect_vreg.scatter [tilespmem:s2], [sflag:$0x1], $0x80, v4, vm0, $0xb8;
	[tilespmem:$0x6100] =	vst v63  }
0x28: {  	_ = 	snop  }
0x29: {  	[hbm4b:s7+s2] =	stream.indirect_vreg.scatter [tilespmem:s13], [sflag:$0x1], $0x80, v4, vm1, $0xb8;
	[tilespmem:$0x6100] =	vst v63  }
0x2a: {  	_ = 	snop  }
0x2b: {  	[hbm4b:s3+s2] =	stream.indirect_vreg.scatter [tilespmem:s14], [sflag:$0x1], $0x80, v3, vm0, $0xb8;
	[tilespmem:$0x6100] =	vst v63  }
0x2c: {  	_ = 	snop  }
0x2d: {  	[hbm4b:s7+s2] =	stream.indirect_vreg.scatter [tilespmem:s15], [sflag:$0x1], $0x80, v3, vm1, $0xb8;
	[tilespmem:$0x6100] =	vst v63  }
0x2e: {  	v3 =	vld [tilespmem:$0x6010];
	_ =	sdelay $0x4  }
0x2f: {  	v57 =	vshrl.u32 v3, $0x3  }
0x30: {  	v4 =	vmul.u32 $0x18, v57  }
0x31: {  	v3 =	vand.u32 $0x7, v3  }
0x32: {  	v3 =	vor.u32 v3, v4  }
0x33: {  	v4 =	vperm.xlane v3, v0;
	_ =	sdelay $0x1  }
0x34: {  	v4 =	vadd.s32 v1, v4;
	_ =	sdelay $0x1  }
0x35: {  	v3 =	vperm.xlane v3, v2;
	_ =	sdelay $0x1  }
0x36: {  	v3 =	vadd.s32 v1, v3  }
0x37: {  	[hbm4b:s3+s2] =	stream.indirect_vreg.scatter [tilespmem:s16], [sflag:$0x1], $0x80, v4, vm0, $0xb8;
	[tilespmem:$0x6100] =	vst v63  }
0x38: {  	_ = 	snop  }
0x39: {  	[hbm4b:s7+s2] =	stream.indirect_vreg.scatter [tilespmem:s17], [sflag:$0x1], $0x80, v4, vm1, $0xb8;
	[tilespmem:$0x6100] =	vst v63  }
0x3a: {  	_ = 	snop  }
0x3b: {  	[hbm4b:s3+s2] =	stream.indirect_vreg.scatter [tilespmem:s18], [sflag:$0x1], $0x80, v3, vm0, $0xb8;
	[tilespmem:$0x6100] =	vst v63  }
0x3c: {  	_ = 	snop  }
0x3d: {  	[hbm4b:s7+s2] =	stream.indirect_vreg.scatter [tilespmem:s19], [sflag:$0x1], $0x80, v3, vm1, $0xb8;
	[tilespmem:$0x6100] =	vst v63  }
0x3e: {  	v3 =	vld [tilespmem:$0x6020];
	_ =	sdelay $0x4  }
0x3f: {  	v58 =	vshrl.u32 v3, $0x3  }
0x40: {  	v4 =	vmul.u32 $0x18, v58  }
0x41: {  	v3 =	vand.u32 $0x7, v3  }
0x42: {  	v3 =	vor.u32 v3, v4  }
0x43: {  	v4 =	vperm.xlane v3, v0;
	_ =	sdelay $0x1  }
0x44: {  	v4 =	vadd.s32 v1, v4;
	_ =	sdelay $0x1  }
0x45: {  	v3 =	vperm.xlane v3, v2;
	_ =	sdelay $0x1  }
0x46: {  	v3 =	vadd.s32 v1, v3  }
0x47: {  	[hbm4b:s3+s2] =	stream.indirect_vreg.scatter [tilespmem:s20], [sflag:$0x1], $0x80, v4, vm0, $0xb8;
	[tilespmem:$0x6100] =	vst v63  }
0x48: {  	_ = 	snop  }
0x49: {  	[hbm4b:s7+s2] =	stream.indirect_vreg.scatter [tilespmem:s21], [sflag:$0x1], $0x80, v4, vm1, $0xb8;
	[tilespmem:$0x6100] =	vst v63  }
0x4a: {  	_ = 	snop  }
0x4b: {  	[hbm4b:s3+s2] =	stream.indirect_vreg.scatter [tilespmem:s22], [sflag:$0x1], $0x80, v3, vm0, $0xb8;
	[tilespmem:$0x6100] =	vst v63  }
0x4c: {  	_ = 	snop  }
0x4d: {  	[hbm4b:s7+s2] =	stream.indirect_vreg.scatter [tilespmem:s23], [sflag:$0x1], $0x80, v3, vm1, $0xb8;
	[tilespmem:$0x6100] =	vst v63  }
0x4e: {  	v3 =	vld [tilespmem:$0x6030];
	_ =	sdelay $0x4  }
0x4f: {  	v59 =	vshrl.u32 v3, $0x3  }
0x50: {  	v4 =	vmul.u32 $0x18, v59  }
0x51: {  	v3 =	vand.u32 $0x7, v3  }
0x52: {  	v3 =	vor.u32 v3, v4  }
0x53: {  	v4 =	vperm.xlane v3, v0;
	_ =	sdelay $0x1  }
0x54: {  	v4 =	vadd.s32 v1, v4;
	_ =	sdelay $0x1  }
0x55: {  	v3 =	vperm.xlane v3, v2;
	_ =	sdelay $0x1  }
0x56: {  	v3 =	vadd.s32 v1, v3  }
0x57: {  	[hbm4b:s3+s2] =	stream.indirect_vreg.scatter [tilespmem:s24], [sflag:$0x1], $0x80, v4, vm0, $0xb8;
	[tilespmem:$0x6100] =	vst v63  }
0x58: {  	_ = 	snop  }
0x59: {  	[hbm4b:s7+s2] =	stream.indirect_vreg.scatter [tilespmem:s25], [sflag:$0x1], $0x80, v4, vm1, $0xb8;
	[tilespmem:$0x6100] =	vst v63  }
0x5a: {  	_ = 	snop  }
0x5b: {  	[hbm4b:s3+s2] =	stream.indirect_vreg.scatter [tilespmem:s26], [sflag:$0x1], $0x80, v3, vm0, $0xb8;
	[tilespmem:$0x6100] =	vst v63  }
0x5c: {  	_ = 	snop  }
0x5d: {  	[hbm4b:s7+s2] =	stream.indirect_vreg.scatter [tilespmem:s28], [sflag:$0x1], $0x80, v3, vm1, $0xb8;
	[tilespmem:$0x6100] =	vst v63  }
0x5e: {  	v3 =	vld [tilespmem:$0x6080];
	_ =	sdelay $0x4  }
0x5f: {  	v60 =	vshrl.u32 v3, $0x3  }
0x60: {  	v4 =	vmul.u32 $0x18, v60  }
0x61: {  	v3 =	vand.u32 $0x7, v3  }
0x62: {  	v3 =	vor.u32 v3, v4  }
0x63: {  	v4 =	vperm.xlane v3, v0;
	_ =	sdelay $0x1  }
0x64: {  	v4 =	vadd.s32 v1, v4;
	_ =	sdelay $0x1  }
0x65: {  	v3 =	vperm.xlane v3, v2;
	_ =	sdelay $0x1  }
0x66: {  	v3 =	vadd.s32 v1, v3  }
0x67: {  	[hbm4b:s3+s2] =	stream.indirect_vreg.scatter [tilespmem:s2], [sflag:$0x2], $0x80, v4, vm0, $0xb8;
	[tilespmem:$0x6100] =	vst v63  }
0x68: {  	_ = 	snop  }
0x69: {  	[hbm4b:s7+s2] =	stream.indirect_vreg.scatter [tilespmem:s13], [sflag:$0x2], $0x80, v4, vm1, $0xb8;
	[tilespmem:$0x6100] =	vst v63  }
0x6a: {  	_ = 	snop  }
0x6b: {  	[hbm4b:s3+s2] =	stream.indirect_vreg.scatter [tilespmem:s14], [sflag:$0x2], $0x80, v3, vm0, $0xb8;
	[tilespmem:$0x6100] =	vst v63  }
0x6c: {  	_ = 	snop  }
0x6d: {  	[hbm4b:s7+s2] =	stream.indirect_vreg.scatter [tilespmem:s15], [sflag:$0x2], $0x80, v3, vm1, $0xb8;
	[tilespmem:$0x6100] =	vst v63  }
0x6e: {  	v3 =	vld [tilespmem:$0x6090];
	_ =	sdelay $0x4  }
0x6f: {  	v61 =	vshrl.u32 v3, $0x3  }
0x70: {  	v4 =	vmul.u32 $0x18, v61  }
0x71: {  	v3 =	vand.u32 $0x7, v3  }
0x72: {  	v3 =	vor.u32 v3, v4  }
0x73: {  	v4 =	vperm.xlane v3, v0;
	_ =	sdelay $0x1  }
0x74: {  	v4 =	vadd.s32 v1, v4;
	_ =	sdelay $0x1  }
0x75: {  	v3 =	vperm.xlane v3, v2;
	_ =	sdelay $0x1  }
0x76: {  	v3 =	vadd.s32 v1, v3  }
0x77: {  	[hbm4b:s3+s2] =	stream.indirect_vreg.scatter [tilespmem:s16], [sflag:$0x2], $0x80, v4, vm0, $0xb8;
	[tilespmem:$0x6100] =	vst v63  }
0x78: {  	_ = 	snop  }
0x79: {  	[hbm4b:s7+s2] =	stream.indirect_vreg.scatter [tilespmem:s17], [sflag:$0x2], $0x80, v4, vm1, $0xb8;
	[tilespmem:$0x6100] =	vst v63  }
0x7a: {  	_ = 	snop  }
0x7b: {  	[hbm4b:s3+s2] =	stream.indirect_vreg.scatter [tilespmem:s18], [sflag:$0x2], $0x80, v3, vm0, $0xb8;
	[tilespmem:$0x6100] =	vst v63  }
0x7c: {  	_ = 	snop  }
0x7d: {  	[hbm4b:s7+s2] =	stream.indirect_vreg.scatter [tilespmem:s19], [sflag:$0x2], $0x80, v3, vm1, $0xb8;
	[tilespmem:$0x6100] =	vst v63  }
0x7e: {  	v3 =	vld [tilespmem:$0x60A0];
	_ =	sdelay $0x4  }
0x7f: {  	v62 =	vshrl.u32 v3, $0x3  }
0x80: {  	v4 =	vmul.u32 $0x18, v62  }
0x81: {  	v3 =	vand.u32 $0x7, v3  }
0x82: {  	v3 =	vor.u32 v3, v4  }
0x83: {  	v4 =	vperm.xlane v3, v0;
	_ =	sdelay $0x1  }
0x84: {  	v4 =	vadd.s32 v1, v4;
	_ =	sdelay $0x1  }
0x85: {  	v3 =	vperm.xlane v3, v2;
	_ =	sdelay $0x1  }
0x86: {  	v3 =	vadd.s32 v1, v3  }
0x87: {  	[hbm4b:s3+s2] =	stream.indirect_vreg.scatter [tilespmem:s20], [sflag:$0x2], $0x80, v4, vm0, $0xb8;
	[tilespmem:$0x6100] =	vst v63  }
0x88: {  	_ = 	snop  }
0x89: {  	[hbm4b:s7+s2] =	stream.indirect_vreg.scatter [tilespmem:s21], [sflag:$0x2], $0x80, v4, vm1, $0xb8;
	[tilespmem:$0x6100] =	vst v63  }
0x8a: {  	_ = 	snop  }
0x8b: {  	[hbm4b:s3+s2] =	stream.indirect_vreg.scatter [tilespmem:s22], [sflag:$0x2], $0x80, v3, vm0, $0xb8;
	[tilespmem:$0x6100] =	vst v63  }
0x8c: {  	_ = 	snop  }
0x8d: {  	[hbm4b:s7+s2] =	stream.indirect_vreg.scatter [tilespmem:s23], [sflag:$0x2], $0x80, v3, vm1, $0xb8;
	[tilespmem:$0x6100] =	vst v63  }
0x8e: {  	v3 =	vld [tilespmem:$0x60B0];
	_ =	sdelay $0x4  }
0x8f: {  	v63 =	vshrl.u32 v3, $0x3  }
0x90: {  	v4 =	vmul.u32 $0x18, v63  }
0x91: {  	v3 =	vand.u32 $0x7, v3  }
0x92: {  	v3 =	vor.u32 v3, v4  }
0x93: {  	v4 =	vperm.xlane v3, v0;
	_ =	sdelay $0x1  }
0x94: {  	v4 =	vadd.s32 v1, v4;
	_ =	sdelay $0x1  }
0x95: {  	v3 =	vperm.xlane v3, v2;
	_ =	sdelay $0x1  }
0x96: {  	v3 =	vadd.s32 v1, v3  }
0x97: {  	[hbm4b:s3+s2] =	stream.indirect_vreg.scatter [tilespmem:s24], [sflag:$0x2], $0x80, v4, vm0, $0xb8;
	[tilespmem:$0x6100] =	vst v63  }
0x98: {  	_ = 	snop  }
0x99: {  	[hbm4b:s7+s2] =	stream.indirect_vreg.scatter [tilespmem:s25], [sflag:$0x2], $0x80, v4, vm1, $0xb8;
	[tilespmem:$0x6100] =	vst v63  }
0x9a: {  	_ = 	snop  }
0x9b: {  	[hbm4b:s3+s2] =	stream.indirect_vreg.scatter [tilespmem:s26], [sflag:$0x2], $0x80, v3, vm0, $0xb8;
	[tilespmem:$0x6100] =	vst v63  }
0x9c: {  	_ = 	snop  }
0x9d: {  	[hbm4b:s7+s2] =	stream.indirect_vreg.scatter [tilespmem:s28], [sflag:$0x2], $0x80, v3, vm1, $0xb8;
	[tilespmem:$0x6100] =	vst v63  }
0x9e: {  	p0 =	sne.s32 s8, $0x1;
	_ =	swait.ge [sflag:s11], $0x6000  }
.Ltmp0:
0x9f: {  	[sflag:s11] =	ssyncset.done $0x0;
	(pc) =	sbr.rel @p0 .LBB2_1-.Ltmp0, $4  }
0xa0: {  	[sflag:s11] =	ssyncadd.s32 $0xFFFFA000  }
0xa1: {  	_ =	swait.ge [sflag:s12], $0x6000  }
0xa2: {  	[sflag:s12] =	ssyncset.done $0x0  }
0xa3: {  	s8 =	sadd.s32 $0xFFFFFFFF, s8;
	[sflag:s12] =	ssyncadd.s32 $0xFFFFA000  }
0xa4: {  	_ =	sfence.sel $0x180000  }
0xa5: {  	[bflag:$0x0] =	sbarrier.arrive $0xFFFF  }
0xa6: {  	p0 =	sne.s32 s1, $0x0;
	_ =	strace $0x90000047  }
0xa7: {  	s0 =	sadd.s32 @!p0 $0x100000, s0;
	[bflag:$0x2] =	sbarrier.arrive $0xFFFF  }
0xa8: {  	[sflag:s0] =	ssyncadd.tile.s32 @!p0 $0x1;
	_ =	shalt  }
.Lfunc_end2:
_tile_overlayer_lowered:
.L_overlay_start_2:
0xa9: {  	(tag) =	ssettag $0x2  }
0xaa: {  	s0 =	rddreg [dreg:$0x0];
	s2 =	stileid.u32  }
0xab: {  	s1 =	rddreg [dreg:$0x1];
	p0 =	sne.s32 s2, $0x0  }
0xac: {  	s3 =	rddreg [dreg:$0x2];
	[bflag:$0x3] =	sbarrier.arrive $0xFFFF;
	s2 =	simm.s32 @!p0 $0x1C03  }
0xad: {  	[timem:s3], [sflag:s2] =	dma.local @!p0 [hbm:s0], s1  }
0xae: {  	s0 =	simm.s32 @!p0 $0x3  }
0xaf: {  	_ =	swait.ge @!p0 [sflag:s0], s1  }
0xb0: {  	s1 =	ssub.s32 @!p0 $0x0, s1;
	[sflag:s0] =	ssyncset.done @!p0 $0x0  }
0xb1: {  	[sflag:s0] =	ssyncadd.s32 @!p0 s1  }
0xb2: {  	[bflag:$0x3] =	sbarrier.arrive $0xFFFF  }
0xb3: {  	_ =	shalt  }

</sc_bundles>
